<compile_context>
chip_gen: v7x
topology: tpu7x:2x2x1
jax: 0.10.2.dev20260603
libtpu: 0.0.44.dev20260713+nightly
codegen_flags: <defaults>
</compile_context>

<pallas_src>
import functools

import jax
import jax.numpy as jnp
from jax import lax
from jax.experimental import pallas as pl
from jax.experimental.pallas import tpu as pltpu
from jax.experimental.pallas import tpu_sc as plsc

NC = 2
NS = 16
CHUNK = 128


def _weights_xw(x, Wp, bp, wv, bv):
    N, D = x.shape
    H = Wp.shape[1]
    BLK = 1000

    def body(x_ref, wp_ref, bp_ref, wv_ref, bv_ref, o_ref):
        xb = x_ref[...]
        h = jnp.tanh(jnp.dot(xb, wp_ref[...], preferred_element_type=jnp.float32)
                     + bp_ref[...])
        w = jax.nn.sigmoid(jnp.dot(h, wv_ref[...], preferred_element_type=jnp.float32)
                           + bv_ref[...])
        o_ref[...] = xb * w

    return pl.pallas_call(
        body,
        grid=(N // BLK,),
        in_specs=[
            pl.BlockSpec((BLK, D), lambda i: (i, 0)),
            pl.BlockSpec((D, H), lambda i: (0, 0)),
            pl.BlockSpec((1, H), lambda i: (0, 0)),
            pl.BlockSpec((H, 1), lambda i: (0, 0)),
            pl.BlockSpec((1, 1), lambda i: (0, 0)),
        ],
        out_specs=pl.BlockSpec((BLK, D), lambda i: (i, 0)),
        out_shape=jax.ShapeDtypeStruct((N, D), jnp.float32),
    )(x, Wp, bp.reshape(1, H), wv, bv.reshape(1, 1))


def _scatter_sc(xw, colp, rowp, np_rows, cpw0, cpw1):
    n, D = xw.shape
    EP = colp.shape[0]
    rpt = np_rows // NS
    mesh = plsc.VectorSubcoreMesh(core_axis_name="c", subcore_axis_name="s")

    @functools.partial(
        pl.kernel,
        mesh=mesh,
        out_type=jax.ShapeDtypeStruct((NC, np_rows, D), jnp.float32),
        scratch_types=[
            pltpu.VMEM((CHUNK,), jnp.int32),
            pltpu.VMEM((CHUNK,), jnp.int32),
            pltpu.VMEM((CHUNK,), jnp.int32),
            pltpu.VMEM((CHUNK,), jnp.int32),
            pltpu.VMEM((CHUNK, D), jnp.float32),
            pltpu.VMEM((CHUNK, D), jnp.float32),
            pltpu.VMEM_SHARED((np_rows, D), jnp.float32),
            pltpu.SemaphoreType.DMA,
            pltpu.SemaphoreType.DMA,
        ],
    )
    def k(xw_hbm, col_hbm, row_hbm, out_hbm, cb0, cb1, rb0, rb1, g0, g1,
          acc, sem0, sem1):
        cbs, rbs, gbs, sems = (cb0, cb1), (rb0, rb1), (g0, g1), (sem0, sem1)
        c = lax.axis_index("c")
        s = lax.axis_index("s")

        def zrow(r, _):
            for v in range(D // 16):
                g0[r, pl.ds(v * 16, 16)] = jnp.zeros((16,), jnp.float32)
            return 0
        lax.fori_loop(0, CHUNK, zrow, 0)

        base = s * rpt
        off = 0
        rem = rpt
        while rem > 0:
            sz = min(CHUNK, rem)
            pltpu.sync_copy(g0.at[pl.ds(0, sz)], acc.at[pl.ds(base + off, sz)])
            off += sz
            rem -= sz
        plsc.subcore_barrier()

        def run_pipe(cpw, chunk0):
            def ifetch(kk, m):
                e0 = (chunk0 + kk) * CHUNK
                pltpu.sync_copy(col_hbm.at[pl.ds(e0, CHUNK)], cbs[m])
                pltpu.sync_copy(row_hbm.at[pl.ds(e0, CHUNK)], rbs[m])

            def gstart(m):
                pltpu.async_copy(xw_hbm.at[cbs[m]], gbs[m], sems[m])

            def gwait(m):
                pltpu.make_async_copy(xw_hbm.at[cbs[0]], gbs[m],
                                      sems[m]).wait()

            def step(kk, m, last=False):
                if not last:
                    ifetch(kk + 1, 1 - m)
                    gstart(1 - m)
                gwait(m)
                pltpu.sync_copy(gbs[m], acc.at[rbs[m]], add=True)

            ifetch(0, 0)
            gstart(0)

            def body(g, _):
                kk = 2 * g
                step(kk, 0)
                step(kk + 1, 1)
                return 0
            lax.fori_loop(0, (cpw - 2) // 2, body, 0)
            if cpw % 2 == 0:
                step(cpw - 2, 0)
                step(cpw - 1, 1, last=True)
            else:
                step(cpw - 1, (cpw - 1) % 2, last=True)

        @pl.when(c == 0)
        def _():
            run_pipe(cpw0, s * cpw0)

        @pl.when(c == 1)
        def _():
            run_pipe(cpw1, NS * cpw0 + s * cpw1)

        plsc.subcore_barrier()

        pltpu.sync_copy(acc.at[pl.ds(base, rpt)],
                        out_hbm.at[c, pl.ds(base, rpt)])

    return k(xw, colp, rowp)


def _prompt_out(parts, x, W1, b1, W2, b2):
    N, D = x.shape
    H = W1.shape[1]
    BLK = 1000

    def body(a0_ref, a1_ref, x_ref, w1_ref, b1_ref, w2_ref, b2_ref, o_ref):
        r = a0_ref[0] + a1_ref[0]
        t = jnp.maximum(jnp.dot(r, w1_ref[...], preferred_element_type=jnp.float32)
                        + b1_ref[...], 0.0)
        p = jnp.dot(t, w2_ref[...], preferred_element_type=jnp.float32) + b2_ref[...]
        o_ref[...] = x_ref[...] + p

    return pl.pallas_call(
        body,
        grid=(N // BLK,),
        in_specs=[
            pl.BlockSpec((1, BLK, D), lambda i: (0, i, 0)),
            pl.BlockSpec((1, BLK, D), lambda i: (1, i, 0)),
            pl.BlockSpec((BLK, D), lambda i: (i, 0)),
            pl.BlockSpec((D, H), lambda i: (0, 0)),
            pl.BlockSpec((1, H), lambda i: (0, 0)),
            pl.BlockSpec((H, D), lambda i: (0, 0)),
            pl.BlockSpec((1, D), lambda i: (0, 0)),
        ],
        out_specs=pl.BlockSpec((BLK, D), lambda i: (i, 0)),
        out_shape=jax.ShapeDtypeStruct((N, D), jnp.float32),
    )(parts, parts, x, W1, b1.reshape(1, H), W2, b2.reshape(1, D))


def kernel(x, edge_index, Wp, bp, wv, bv, W1, b1, W2, b2):
    N, D = x.shape
    E = edge_index.shape[1]
    gran = NC * NS * CHUNK
    EP = ((E + gran - 1) // gran) * gran
    np_rows = -(-(N + 1) // (NS * 8)) * (NS * 8)

    row = edge_index[0]
    col = edge_index[1]
    pad = EP - E
    if pad:
        rowp = jnp.concatenate(
            [row, N + (jnp.arange(pad, dtype=jnp.int32) % (np_rows - N))])
        colp = jnp.concatenate([col, jnp.zeros((pad,), jnp.int32)])
    else:
        rowp, colp = row, col

    nchunks = EP // CHUNK
    cpw0 = 114
    cpw1 = nchunks // NS - cpw0
    assert NS * (cpw0 + cpw1) == nchunks and cpw0 % 2 == 0 and cpw1 % 2 == 0

    xw = _weights_xw(x, Wp, bp, wv, bv)
    parts = _scatter_sc(xw, colp, rowp, np_rows, cpw0, cpw1)
    out = _prompt_out(parts, x, W1, b1, W2, b2)
    return (out, edge_index)

# --- scband reference (transcript-rebuilt; emitter-appended) ---
"""Pipeline reference for scband-pro-no-g-prompt-20057497272458 (READ-ONLY COPY).

The authoritative reference and input builder live on the scoring server;
editing this copy changes nothing except your own understanding.
"""

import jax, jax.numpy as jnp
import numpy as np

N, D, H, E = 10000, 128, 64, 320000

def setup_inputs(seed: int = 0) -> dict:
    key = jax.random.key(seed)
    ks = jax.random.split(key, 10)
    x = jax.random.normal(ks[0], (N, D), dtype=jnp.float32)
    edge_index = jax.random.randint(ks[1], (2, E), 0, N, dtype=jnp.int32)
    # sim_proj: Linear(D, H)
    Wp = jax.random.normal(ks[2], (D, H), dtype=jnp.float32) / np.sqrt(D)
    bp = jnp.zeros((H,), dtype=jnp.float32)
    # sim_vector: Linear(H, 1)
    wv = jax.random.normal(ks[3], (H, 1), dtype=jnp.float32) / np.sqrt(H)
    bv = jnp.zeros((1,), dtype=jnp.float32)
    # condition_net: Linear(D, H) -> ReLU -> Linear(H, D)
    W1 = jax.random.normal(ks[4], (D, H), dtype=jnp.float32) / np.sqrt(D)
    b1 = jnp.zeros((H,), dtype=jnp.float32)
    W2 = jax.random.normal(ks[5], (H, D), dtype=jnp.float32) / np.sqrt(H)
    b2 = jnp.zeros((D,), dtype=jnp.float32)
    return {"x": x, "edge_index": edge_index, "Wp": Wp, "bp": bp, "wv": wv, "bv": bv, "W1": W1, "b1": b1, "W2": W2, "b2": b2}

def reference(x, edge_index, Wp, bp, wv, bv, W1, b1, W2, b2):
    h = jnp.tanh(x @ Wp + bp)
    weights = jax.nn.sigmoid(h @ wv + bv)[:, 0]
    row = edge_index[0]
    col = edge_index[1]
    edge_weights = weights[col]
    readout = jnp.zeros_like(x).at[row].add(x[col] * edge_weights[:, None])
    node_specific_prompts = jax.nn.relu(readout @ W1 + b1) @ W2 + b2
    x_prompted = x + node_specific_prompts
    return (x_prompted, edge_index)

if __name__ == "__main__":
    import jax
    _d = setup_inputs()
    print(jax.jit(kernel)(*tuple(_d.values())))

</pallas_src>

<mosaic_0001>
#map = affine_map<(d0, d1) -> (0, 0)>
#map1 = affine_map<(d0, d1) -> (0)>
#map2 = affine_map<(d0, d1) -> (0, 0, 0)>
module attributes {stable_mosaic.version = 14 : i64} {
  func.func @k(%arg0: i32, %arg1: i32, %arg2: memref<10000x128xf32, #tpu.memory_space<hbm>>, %arg3: memref<323584xi32, #tpu.memory_space<hbm>>, %arg4: memref<323584xi32, #tpu.memory_space<hbm>>, %arg5: memref<2x10112x128xf32, #tpu.memory_space<hbm>>, %arg6: memref<128xi32, #tpu.memory_space<vmem>>, %arg7: memref<128xi32, #tpu.memory_space<vmem>>, %arg8: memref<128xi32, #tpu.memory_space<vmem>>, %arg9: memref<128xi32, #tpu.memory_space<vmem>>, %arg10: memref<128x128xf32, #tpu.memory_space<vmem>>, %arg11: memref<128x128xf32, #tpu.memory_space<vmem>>, %arg12: memref<10112x128xf32, #tpu.memory_space<vmem_shared>>, %arg13: memref<!tpu.dma_semaphore, #tpu.memory_space<semaphore_mem>>, %arg14: memref<!tpu.dma_semaphore, #tpu.memory_space<semaphore_mem>>) attributes {dimension_semantics = [#tpu.dimension_semantics<core_parallel>, #tpu.dimension_semantics<subcore_parallel>], iteration_bounds = array<i64: 2, 16>, scalar_prefetch = 0 : i64, scratch_operands = 9 : i64, tpu.core_type = #tpu.core_type<sc_vector_subcore>, window_params = [{transform_indices = #map}, {transform_indices = #map1}, {transform_indices = #map1}, {transform_indices = #map2}]} {
    %scan3A = arith.constant 0 : i32
    %scan3A_0 = arith.constant 0 : i32
    %scan3A_1 = arith.constant 128 : i32
    %scan3A_2 = arith.addi %scan3A_0, %scan3A_1 : i32
    %scan3A_3 = arith.constant 1 : i32
    %scan3A_4 = scf.for %scan3A_24 = %scan3A_0 to %scan3A_2 step %scan3A_3 iter_args(%scan3A_25 = %scan3A) -> (i32)  : i32 {
      %broadcast_in_dim3A = arith.constant 0.000000e+00 : f32
      %broadcast_in_dim3A_26 = vector.broadcast %broadcast_in_dim3A : f32 to vector<16xf32>
      %swap3A = arith.index_cast %scan3A_24 : i32 to index
      %swap3A_27 = arith.constant 0 : index
      %swap3A_28 = tpu.vector_load %arg10[%swap3A, %swap3A_27] {strides = array<i32>} : memref<128x128xf32, #tpu.memory_space<vmem>>, vector<1x16xf32>,
      %swap3A_29 = vector.shape_cast %swap3A_28 : vector<1x16xf32> to vector<16xf32>
      %swap3A_30 = vector.shape_cast %broadcast_in_dim3A_26 : vector<16xf32> to vector<1x16xf32>
      tpu.vector_store %arg10[%swap3A, %swap3A_27], %swap3A_30 {strides = array<i32>} : memref<128x128xf32, #tpu.memory_space<vmem>>, vector<1x16xf32>,
      %broadcast_in_dim3A_31 = arith.constant 0.000000e+00 : f32
      %broadcast_in_dim3A_32 = vector.broadcast %broadcast_in_dim3A_31 : f32 to vector<16xf32>
      %swap3A_33 = arith.index_cast %scan3A_24 : i32 to index
      %swap3A_34 = arith.constant 16 : index
      %swap3A_35 = tpu.vector_load %arg10[%swap3A_33, %swap3A_34] {strides = array<i32>} : memref<128x128xf32, #tpu.memory_space<vmem>>, vector<1x16xf32>,
      %swap3A_36 = vector.shape_cast %swap3A_35 : vector<1x16xf32> to vector<16xf32>
      %swap3A_37 = vector.shape_cast %broadcast_in_dim3A_32 : vector<16xf32> to vector<1x16xf32>
      tpu.vector_store %arg10[%swap3A_33, %swap3A_34], %swap3A_37 {strides = array<i32>} : memref<128x128xf32, #tpu.memory_space<vmem>>, vector<1x16xf32>,
      %broadcast_in_dim3A_38 = arith.constant 0.000000e+00 : f32
      %broadcast_in_dim3A_39 = vector.broadcast %broadcast_in_dim3A_38 : f32 to vector<16xf32>
      %swap3A_40 = arith.index_cast %scan3A_24 : i32 to index
      %swap3A_41 = arith.constant 32 : index
      %swap3A_42 = tpu.vector_load %arg10[%swap3A_40, %swap3A_41] {strides = array<i32>} : memref<128x128xf32, #tpu.memory_space<vmem>>, vector<1x16xf32>,
      %swap3A_43 = vector.shape_cast %swap3A_42 : vector<1x16xf32> to vector<16xf32>
      %swap3A_44 = vector.shape_cast %broadcast_in_dim3A_39 : vector<16xf32> to vector<1x16xf32>
      tpu.vector_store %arg10[%swap3A_40, %swap3A_41], %swap3A_44 {strides = array<i32>} : memref<128x128xf32, #tpu.memory_space<vmem>>, vector<1x16xf32>,
      %broadcast_in_dim3A_45 = arith.constant 0.000000e+00 : f32
      %broadcast_in_dim3A_46 = vector.broadcast %broadcast_in_dim3A_45 : f32 to vector<16xf32>
      %swap3A_47 = arith.index_cast %scan3A_24 : i32 to index
      %swap3A_48 = arith.constant 48 : index
      %swap3A_49 = tpu.vector_load %arg10[%swap3A_47, %swap3A_48] {strides = array<i32>} : memref<128x128xf32, #tpu.memory_space<vmem>>, vector<1x16xf32>,
      %swap3A_50 = vector.shape_cast %swap3A_49 : vector<1x16xf32> to vector<16xf32>
      %swap3A_51 = vector.shape_cast %broadcast_in_dim3A_46 : vector<16xf32> to vector<1x16xf32>
      tpu.vector_store %arg10[%swap3A_47, %swap3A_48], %swap3A_51 {strides = array<i32>} : memref<128x128xf32, #tpu.memory_space<vmem>>, vector<1x16xf32>,
      %broadcast_in_dim3A_52 = arith.constant 0.000000e+00 : f32
      %broadcast_in_dim3A_53 = vector.broadcast %broadcast_in_dim3A_52 : f32 to vector<16xf32>
      %swap3A_54 = arith.index_cast %scan3A_24 : i32 to index
      %swap3A_55 = arith.constant 64 : index
      %swap3A_56 = tpu.vector_load %arg10[%swap3A_54, %swap3A_55] {strides = array<i32>} : memref<128x128xf32, #tpu.memory_space<vmem>>, vector<1x16xf32>,
      %swap3A_57 = vector.shape_cast %swap3A_56 : vector<1x16xf32> to vector<16xf32>
      %swap3A_58 = vector.shape_cast %broadcast_in_dim3A_53 : vector<16xf32> to vector<1x16xf32>
      tpu.vector_store %arg10[%swap3A_54, %swap3A_55], %swap3A_58 {strides = array<i32>} : memref<128x128xf32, #tpu.memory_space<vmem>>, vector<1x16xf32>,
      %broadcast_in_dim3A_59 = arith.constant 0.000000e+00 : f32
      %broadcast_in_dim3A_60 = vector.broadcast %broadcast_in_dim3A_59 : f32 to vector<16xf32>
      %swap3A_61 = arith.index_cast %scan3A_24 : i32 to index
      %swap3A_62 = arith.constant 80 : index
      %swap3A_63 = tpu.vector_load %arg10[%swap3A_61, %swap3A_62] {strides = array<i32>} : memref<128x128xf32, #tpu.memory_space<vmem>>, vector<1x16xf32>,
      %swap3A_64 = vector.shape_cast %swap3A_63 : vector<1x16xf32> to vector<16xf32>
      %swap3A_65 = vector.shape_cast %broadcast_in_dim3A_60 : vector<16xf32> to vector<1x16xf32>
      tpu.vector_store %arg10[%swap3A_61, %swap3A_62], %swap3A_65 {strides = array<i32>} : memref<128x128xf32, #tpu.memory_space<vmem>>, vector<1x16xf32>,
      %broadcast_in_dim3A_66 = arith.constant 0.000000e+00 : f32
      %broadcast_in_dim3A_67 = vector.broadcast %broadcast_in_dim3A_66 : f32 to vector<16xf32>
      %swap3A_68 = arith.index_cast %scan3A_24 : i32 to index
      %swap3A_69 = arith.constant 96 : index
      %swap3A_70 = tpu.vector_load %arg10[%swap3A_68, %swap3A_69] {strides = array<i32>} : memref<128x128xf32, #tpu.memory_space<vmem>>, vector<1x16xf32>,
      %swap3A_71 = vector.shape_cast %swap3A_70 : vector<1x16xf32> to vector<16xf32>
      %swap3A_72 = vector.shape_cast %broadcast_in_dim3A_67 : vector<16xf32> to vector<1x16xf32>
      tpu.vector_store %arg10[%swap3A_68, %swap3A_69], %swap3A_72 {strides = array<i32>} : memref<128x128xf32, #tpu.memory_space<vmem>>, vector<1x16xf32>,
      %broadcast_in_dim3A_73 = arith.constant 0.000000e+00 : f32
      %broadcast_in_dim3A_74 = vector.broadcast %broadcast_in_dim3A_73 : f32 to vector<16xf32>
      %swap3A_75 = arith.index_cast %scan3A_24 : i32 to index
      %swap3A_76 = arith.constant 112 : index
      %swap3A_77 = tpu.vector_load %arg10[%swap3A_75, %swap3A_76] {strides = array<i32>} : memref<128x128xf32, #tpu.memory_space<vmem>>, vector<1x16xf32>,
      %swap3A_78 = vector.shape_cast %swap3A_77 : vector<1x16xf32> to vector<16xf32>
      %swap3A_79 = vector.shape_cast %broadcast_in_dim3A_74 : vector<16xf32> to vector<1x16xf32>
      tpu.vector_store %arg10[%swap3A_75, %swap3A_76], %swap3A_79 {strides = array<i32>} : memref<128x128xf32, #tpu.memory_space<vmem>>, vector<1x16xf32>,
      %scan3A_80 = arith.constant 0 : i32
      scf.yield %scan3A_80 : i32
    }
    %scan3A_5 = arith.constant 128 : i32
    %mul3A = arith.constant 632 : i32
    %mul3A_6 = arith.muli %arg1, %mul3A : i32
    %add3A = arith.constant 0 : i32
    %add3A_7 = arith.addi %mul3A_6, %add3A : i32
    "tpu.region"() ({
      %run_scoped3A = tpu.sem_alloc : memref<!tpu.dma_semaphore, #tpu.memory_space<semaphore_mem>>
      %dma_start3A = arith.constant 0 : i32
      %dma_start3A_24 = arith.constant 0 : i32
      %dma_start3A_25 = tpu.memref_slice %arg10[%dma_start3A, %dma_start3A_24] : memref<128x128xf32, #tpu.memory_space<vmem>> -> memref<128x128xf32, #tpu.memory_space<vmem>>
      %dma_start3A_26 = arith.constant 0 : i32
      %dma_start3A_27 = tpu.memref_slice %arg12[%add3A_7, %dma_start3A_26] : memref<10112x128xf32, #tpu.memory_space<vmem_shared>> -> memref<128x128xf32, #tpu.memory_space<vmem_shared>>
      %dma_start3A_28 = arith.constant 0 : i32
      %dma_start3A_29 = tpu.memref_slice %arg12[%add3A_7, %dma_start3A_28] : memref<10112x128xf32, #tpu.memory_space<vmem_shared>> -> memref<128x128xf32, #tpu.memory_space<vmem_shared>>
      %dma_start3A_30 = arith.constant 0 : i32
      %dma_start3A_31 = arith.constant 0 : i32
      %dma_start3A_32 = tpu.memref_slice %arg10[%dma_start3A_30, %dma_start3A_31] : memref<128x128xf32, #tpu.memory_space<vmem>> -> memref<128x128xf32, #tpu.memory_space<vmem>>
      tpu.enqueue_dma source(%dma_start3A_32 : memref<128x128xf32, #tpu.memory_space<vmem>>) target(%dma_start3A_29 : memref<128x128xf32, #tpu.memory_space<vmem_shared>>) target_semaphore(%run_scoped3A : memref<!tpu.dma_semaphore, #tpu.memory_space<semaphore_mem>>)
      %dma_wait3A = arith.constant 0 : i32
      %dma_wait3A_33 = arith.constant 0 : i32
      %dma_wait3A_34 = tpu.memref_slice %arg10[%dma_wait3A, %dma_wait3A_33] : memref<128x128xf32, #tpu.memory_space<vmem>> -> memref<128x128xf32, #tpu.memory_space<vmem>>
      %dma_wait3A_35 = arith.constant 0 : i32
      %dma_wait3A_36 = tpu.memref_slice %arg12[%add3A_7, %dma_wait3A_35] : memref<10112x128xf32, #tpu.memory_space<vmem_shared>> -> memref<128x128xf32, #tpu.memory_space<vmem_shared>>
      %dma_wait3A_37 = arith.constant 0 : i32
      %dma_wait3A_38 = tpu.memref_slice %arg12[%add3A_7, %dma_wait3A_37] : memref<10112x128xf32, #tpu.memory_space<vmem_shared>> -> memref<128x128xf32, #tpu.memory_space<vmem_shared>>
      %dma_wait3A_39 = arith.constant 0 : i32
      %dma_wait3A_40 = arith.constant 0 : i32
      %dma_wait3A_41 = tpu.memref_slice %arg10[%dma_wait3A_39, %dma_wait3A_40] : memref<128x128xf32, #tpu.memory_space<vmem>> -> memref<128x128xf32, #tpu.memory_space<vmem>>
      tpu.wait_dma2 semaphore(%run_scoped3A : memref<!tpu.dma_semaphore, #tpu.memory_space<semaphore_mem>>) src(%dma_wait3A_41 : memref<128x128xf32, #tpu.memory_space<vmem>>) dst(%dma_wait3A_38 : memref<128x128xf32, #tpu.memory_space<vmem_shared>>)
      tpu.yield
    }) : () -> ()
    %add3A_8 = arith.constant 128 : i32
    %add3A_9 = arith.addi %mul3A_6, %add3A_8 : i32
    "tpu.region"() ({
      %run_scoped3A = tpu.sem_alloc : memref<!tpu.dma_semaphore, #tpu.memory_space<semaphore_mem>>
      %dma_start3A = arith.constant 0 : i32
      %dma_start3A_24 = arith.constant 0 : i32
      %dma_start3A_25 = tpu.memref_slice %arg10[%dma_start3A, %dma_start3A_24] : memref<128x128xf32, #tpu.memory_space<vmem>> -> memref<128x128xf32, #tpu.memory_space<vmem>>
      %dma_start3A_26 = arith.constant 0 : i32
      %dma_start3A_27 = tpu.memref_slice %arg12[%add3A_9, %dma_start3A_26] : memref<10112x128xf32, #tpu.memory_space<vmem_shared>> -> memref<128x128xf32, #tpu.memory_space<vmem_shared>>
      %dma_start3A_28 = arith.constant 0 : i32
      %dma_start3A_29 = tpu.memref_slice %arg12[%add3A_9, %dma_start3A_28] : memref<10112x128xf32, #tpu.memory_space<vmem_shared>> -> memref<128x128xf32, #tpu.memory_space<vmem_shared>>
      %dma_start3A_30 = arith.constant 0 : i32
      %dma_start3A_31 = arith.constant 0 : i32
      %dma_start3A_32 = tpu.memref_slice %arg10[%dma_start3A_30, %dma_start3A_31] : memref<128x128xf32, #tpu.memory_space<vmem>> -> memref<128x128xf32, #tpu.memory_space<vmem>>
      tpu.enqueue_dma source(%dma_start3A_32 : memref<128x128xf32, #tpu.memory_space<vmem>>) target(%dma_start3A_29 : memref<128x128xf32, #tpu.memory_space<vmem_shared>>) target_semaphore(%run_scoped3A : memref<!tpu.dma_semaphore, #tpu.memory_space<semaphore_mem>>)
      %dma_wait3A = arith.constant 0 : i32
      %dma_wait3A_33 = arith.constant 0 : i32
      %dma_wait3A_34 = tpu.memref_slice %arg10[%dma_wait3A, %dma_wait3A_33] : memref<128x128xf32, #tpu.memory_space<vmem>> -> memref<128x128xf32, #tpu.memory_space<vmem>>
      %dma_wait3A_35 = arith.constant 0 : i32
      %dma_wait3A_36 = tpu.memref_slice %arg12[%add3A_9, %dma_wait3A_35] : memref<10112x128xf32, #tpu.memory_space<vmem_shared>> -> memref<128x128xf32, #tpu.memory_space<vmem_shared>>
      %dma_wait3A_37 = arith.constant 0 : i32
      %dma_wait3A_38 = tpu.memref_slice %arg12[%add3A_9, %dma_wait3A_37] : memref<10112x128xf32, #tpu.memory_space<vmem_shared>> -> memref<128x128xf32, #tpu.memory_space<vmem_shared>>
      %dma_wait3A_39 = arith.constant 0 : i32
      %dma_wait3A_40 = arith.constant 0 : i32
      %dma_wait3A_41 = tpu.memref_slice %arg10[%dma_wait3A_39, %dma_wait3A_40] : memref<128x128xf32, #tpu.memory_space<vmem>> -> memref<128x128xf32, #tpu.memory_space<vmem>>
      tpu.wait_dma2 semaphore(%run_scoped3A : memref<!tpu.dma_semaphore, #tpu.memory_space<semaphore_mem>>) src(%dma_wait3A_41 : memref<128x128xf32, #tpu.memory_space<vmem>>) dst(%dma_wait3A_38 : memref<128x128xf32, #tpu.memory_space<vmem_shared>>)
      tpu.yield
    }) : () -> ()
    %add3A_10 = arith.constant 256 : i32
    %add3A_11 = arith.addi %mul3A_6, %add3A_10 : i32
    "tpu.region"() ({
      %run_scoped3A = tpu.sem_alloc : memref<!tpu.dma_semaphore, #tpu.memory_space<semaphore_mem>>
      %dma_start3A = arith.constant 0 : i32
      %dma_start3A_24 = arith.constant 0 : i32
      %dma_start3A_25 = tpu.memref_slice %arg10[%dma_start3A, %dma_start3A_24] : memref<128x128xf32, #tpu.memory_space<vmem>> -> memref<128x128xf32, #tpu.memory_space<vmem>>
      %dma_start3A_26 = arith.constant 0 : i32
      %dma_start3A_27 = tpu.memref_slice %arg12[%add3A_11, %dma_start3A_26] : memref<10112x128xf32, #tpu.memory_space<vmem_shared>> -> memref<128x128xf32, #tpu.memory_space<vmem_shared>>
      %dma_start3A_28 = arith.constant 0 : i32
      %dma_start3A_29 = tpu.memref_slice %arg12[%add3A_11, %dma_start3A_28] : memref<10112x128xf32, #tpu.memory_space<vmem_shared>> -> memref<128x128xf32, #tpu.memory_space<vmem_shared>>
      %dma_start3A_30 = arith.constant 0 : i32
      %dma_start3A_31 = arith.constant 0 : i32
      %dma_start3A_32 = tpu.memref_slice %arg10[%dma_start3A_30, %dma_start3A_31] : memref<128x128xf32, #tpu.memory_space<vmem>> -> memref<128x128xf32, #tpu.memory_space<vmem>>
      tpu.enqueue_dma source(%dma_start3A_32 : memref<128x128xf32, #tpu.memory_space<vmem>>) target(%dma_start3A_29 : memref<128x128xf32, #tpu.memory_space<vmem_shared>>) target_semaphore(%run_scoped3A : memref<!tpu.dma_semaphore, #tpu.memory_space<semaphore_mem>>)
      %dma_wait3A = arith.constant 0 : i32
      %dma_wait3A_33 = arith.constant 0 : i32
      %dma_wait3A_34 = tpu.memref_slice %arg10[%dma_wait3A, %dma_wait3A_33] : memref<128x128xf32, #tpu.memory_space<vmem>> -> memref<128x128xf32, #tpu.memory_space<vmem>>
      %dma_wait3A_35 = arith.constant 0 : i32
      %dma_wait3A_36 = tpu.memref_slice %arg12[%add3A_11, %dma_wait3A_35] : memref<10112x128xf32, #tpu.memory_space<vmem_shared>> -> memref<128x128xf32, #tpu.memory_space<vmem_shared>>
      %dma_wait3A_37 = arith.constant 0 : i32
      %dma_wait3A_38 = tpu.memref_slice %arg12[%add3A_11, %dma_wait3A_37] : memref<10112x128xf32, #tpu.memory_space<vmem_shared>> -> memref<128x128xf32, #tpu.memory_space<vmem_shared>>
      %dma_wait3A_39 = arith.constant 0 : i32
      %dma_wait3A_40 = arith.constant 0 : i32
      %dma_wait3A_41 = tpu.memref_slice %arg10[%dma_wait3A_39, %dma_wait3A_40] : memref<128x128xf32, #tpu.memory_space<vmem>> -> memref<128x128xf32, #tpu.memory_space<vmem>>
      tpu.wait_dma2 semaphore(%run_scoped3A : memref<!tpu.dma_semaphore, #tpu.memory_space<semaphore_mem>>) src(%dma_wait3A_41 : memref<128x128xf32, #tpu.memory_space<vmem>>) dst(%dma_wait3A_38 : memref<128x128xf32, #tpu.memory_space<vmem_shared>>)
      tpu.yield
    }) : () -> ()
    %add3A_12 = arith.constant 384 : i32
    %add3A_13 = arith.addi %mul3A_6, %add3A_12 : i32
    "tpu.region"() ({
      %run_scoped3A = tpu.sem_alloc : memref<!tpu.dma_semaphore, #tpu.memory_space<semaphore_mem>>
      %dma_start3A = arith.constant 0 : i32
      %dma_start3A_24 = arith.constant 0 : i32
      %dma_start3A_25 = tpu.memref_slice %arg10[%dma_start3A, %dma_start3A_24] : memref<128x128xf32, #tpu.memory_space<vmem>> -> memref<128x128xf32, #tpu.memory_space<vmem>>
      %dma_start3A_26 = arith.constant 0 : i32
      %dma_start3A_27 = tpu.memref_slice %arg12[%add3A_13, %dma_start3A_26] : memref<10112x128xf32, #tpu.memory_space<vmem_shared>> -> memref<128x128xf32, #tpu.memory_space<vmem_shared>>
      %dma_start3A_28 = arith.constant 0 : i32
      %dma_start3A_29 = tpu.memref_slice %arg12[%add3A_13, %dma_start3A_28] : memref<10112x128xf32, #tpu.memory_space<vmem_shared>> -> memref<128x128xf32, #tpu.memory_space<vmem_shared>>
      %dma_start3A_30 = arith.constant 0 : i32
      %dma_start3A_31 = arith.constant 0 : i32
      %dma_start3A_32 = tpu.memref_slice %arg10[%dma_start3A_30, %dma_start3A_31] : memref<128x128xf32, #tpu.memory_space<vmem>> -> memref<128x128xf32, #tpu.memory_space<vmem>>
      tpu.enqueue_dma source(%dma_start3A_32 : memref<128x128xf32, #tpu.memory_space<vmem>>) target(%dma_start3A_29 : memref<128x128xf32, #tpu.memory_space<vmem_shared>>) target_semaphore(%run_scoped3A : memref<!tpu.dma_semaphore, #tpu.memory_space<semaphore_mem>>)
      %dma_wait3A = arith.constant 0 : i32
      %dma_wait3A_33 = arith.constant 0 : i32
      %dma_wait3A_34 = tpu.memref_slice %arg10[%dma_wait3A, %dma_wait3A_33] : memref<128x128xf32, #tpu.memory_space<vmem>> -> memref<128x128xf32, #tpu.memory_space<vmem>>
      %dma_wait3A_35 = arith.constant 0 : i32
      %dma_wait3A_36 = tpu.memref_slice %arg12[%add3A_13, %dma_wait3A_35] : memref<10112x128xf32, #tpu.memory_space<vmem_shared>> -> memref<128x128xf32, #tpu.memory_space<vmem_shared>>
      %dma_wait3A_37 = arith.constant 0 : i32
      %dma_wait3A_38 = tpu.memref_slice %arg12[%add3A_13, %dma_wait3A_37] : memref<10112x128xf32, #tpu.memory_space<vmem_shared>> -> memref<128x128xf32, #tpu.memory_space<vmem_shared>>
      %dma_wait3A_39 = arith.constant 0 : i32
      %dma_wait3A_40 = arith.constant 0 : i32
      %dma_wait3A_41 = tpu.memref_slice %arg10[%dma_wait3A_39, %dma_wait3A_40] : memref<128x128xf32, #tpu.memory_space<vmem>> -> memref<128x128xf32, #tpu.memory_space<vmem>>
      tpu.wait_dma2 semaphore(%run_scoped3A : memref<!tpu.dma_semaphore, #tpu.memory_space<semaphore_mem>>) src(%dma_wait3A_41 : memref<128x128xf32, #tpu.memory_space<vmem>>) dst(%dma_wait3A_38 : memref<128x128xf32, #tpu.memory_space<vmem_shared>>)
      tpu.yield
    }) : () -> ()
    %add3A_14 = arith.constant 512 : i32
    %add3A_15 = arith.addi %mul3A_6, %add3A_14 : i32
    "tpu.region"() ({
      %run_scoped3A = tpu.sem_alloc : memref<!tpu.dma_semaphore, #tpu.memory_space<semaphore_mem>>
      %dma_start3A = arith.constant 0 : i32
      %dma_start3A_24 = arith.constant 0 : i32
      %dma_start3A_25 = tpu.memref_slice %arg10[%dma_start3A, %dma_start3A_24] : memref<128x128xf32, #tpu.memory_space<vmem>> -> memref<120x128xf32, #tpu.memory_space<vmem>>
      %dma_start3A_26 = arith.constant 0 : i32
      %dma_start3A_27 = tpu.memref_slice %arg12[%add3A_15, %dma_start3A_26] : memref<10112x128xf32, #tpu.memory_space<vmem_shared>> -> memref<120x128xf32, #tpu.memory_space<vmem_shared>>
      %dma_start3A_28 = arith.constant 0 : i32
      %dma_start3A_29 = tpu.memref_slice %arg12[%add3A_15, %dma_start3A_28] : memref<10112x128xf32, #tpu.memory_space<vmem_shared>> -> memref<120x128xf32, #tpu.memory_space<vmem_shared>>
      %dma_start3A_30 = arith.constant 0 : i32
      %dma_start3A_31 = arith.constant 0 : i32
      %dma_start3A_32 = tpu.memref_slice %arg10[%dma_start3A_30, %dma_start3A_31] : memref<128x128xf32, #tpu.memory_space<vmem>> -> memref<120x128xf32, #tpu.memory_space<vmem>>
      tpu.enqueue_dma source(%dma_start3A_32 : memref<120x128xf32, #tpu.memory_space<vmem>>) target(%dma_start3A_29 : memref<120x128xf32, #tpu.memory_space<vmem_shared>>) target_semaphore(%run_scoped3A : memref<!tpu.dma_semaphore, #tpu.memory_space<semaphore_mem>>)
      %dma_wait3A = arith.constant 0 : i32
      %dma_wait3A_33 = arith.constant 0 : i32
      %dma_wait3A_34 = tpu.memref_slice %arg10[%dma_wait3A, %dma_wait3A_33] : memref<128x128xf32, #tpu.memory_space<vmem>> -> memref<120x128xf32, #tpu.memory_space<vmem>>
      %dma_wait3A_35 = arith.constant 0 : i32
      %dma_wait3A_36 = tpu.memref_slice %arg12[%add3A_15, %dma_wait3A_35] : memref<10112x128xf32, #tpu.memory_space<vmem_shared>> -> memref<120x128xf32, #tpu.memory_space<vmem_shared>>
      %dma_wait3A_37 = arith.constant 0 : i32
      %dma_wait3A_38 = tpu.memref_slice %arg12[%add3A_15, %dma_wait3A_37] : memref<10112x128xf32, #tpu.memory_space<vmem_shared>> -> memref<120x128xf32, #tpu.memory_space<vmem_shared>>
      %dma_wait3A_39 = arith.constant 0 : i32
      %dma_wait3A_40 = arith.constant 0 : i32
      %dma_wait3A_41 = tpu.memref_slice %arg10[%dma_wait3A_39, %dma_wait3A_40] : memref<128x128xf32, #tpu.memory_space<vmem>> -> memref<120x128xf32, #tpu.memory_space<vmem>>
      tpu.wait_dma2 semaphore(%run_scoped3A : memref<!tpu.dma_semaphore, #tpu.memory_space<semaphore_mem>>) src(%dma_wait3A_41 : memref<120x128xf32, #tpu.memory_space<vmem>>) dst(%dma_wait3A_38 : memref<120x128xf32, #tpu.memory_space<vmem_shared>>)
      tpu.yield
    }) : () -> ()
    %barrier3A = arith.constant 0 : index
    tpu.barrier barrier_id(%barrier3A)
    %eq3A = arith.constant 0 : i32
    %eq3A_16 = arith.cmpi eq, %arg0, %eq3A : i32
    %convert_element_type3A = arith.extui %eq3A_16 : i1 to i32
    %cond3A = arith.constant 0 : i32
    %cond3A_17 = arith.cmpi ne, %convert_element_type3A, %cond3A : i32
    scf.if %cond3A_17 {
      %mul3A_24 = arith.constant 114 : i32
      %mul3A_25 = arith.muli %arg1, %mul3A_24 : i32
      %add3A_26 = arith.constant 0 : i32
      %add3A_27 = arith.addi %mul3A_25, %add3A_26 : i32
      %mul3A_28 = arith.constant 128 : i32
      %mul3A_29 = arith.muli %add3A_27, %mul3A_28 : i32
      "tpu.region"() ({
        %run_scoped3A = tpu.sem_alloc : memref<!tpu.dma_semaphore, #tpu.memory_space<semaphore_mem>>
        %dma_start3A_51 = tpu.memref_slice %arg3[%mul3A_29] : memref<323584xi32, #tpu.memory_space<hbm>> -> memref<128xi32, #tpu.memory_space<hbm>>
        %dma_start3A_52 = tpu.memref_slice %arg3[%mul3A_29] : memref<323584xi32, #tpu.memory_space<hbm>> -> memref<128xi32, #tpu.memory_space<hbm>>
        tpu.enqueue_dma source(%dma_start3A_52 : memref<128xi32, #tpu.memory_space<hbm>>) target(%arg6 : memref<128xi32, #tpu.memory_space<vmem>>) target_semaphore(%run_scoped3A : memref<!tpu.dma_semaphore, #tpu.memory_space<semaphore_mem>>)
        %dma_wait3A_53 = tpu.memref_slice %arg3[%mul3A_29] : memref<323584xi32, #tpu.memory_space<hbm>> -> memref<128xi32, #tpu.memory_space<hbm>>
        %dma_wait3A_54 = tpu.memref_slice %arg3[%mul3A_29] : memref<323584xi32, #tpu.memory_space<hbm>> -> memref<128xi32, #tpu.memory_space<hbm>>
        tpu.wait_dma2 semaphore(%run_scoped3A : memref<!tpu.dma_semaphore, #tpu.memory_space<semaphore_mem>>) src(%dma_wait3A_54 : memref<128xi32, #tpu.memory_space<hbm>>) dst(%arg6 : memref<128xi32, #tpu.memory_space<vmem>>)
        tpu.yield
      }) : () -> ()
      "tpu.region"() ({
        %run_scoped3A = tpu.sem_alloc : memref<!tpu.dma_semaphore, #tpu.memory_space<semaphore_mem>>
        %dma_start3A_51 = tpu.memref_slice %arg4[%mul3A_29] : memref<323584xi32, #tpu.memory_space<hbm>> -> memref<128xi32, #tpu.memory_space<hbm>>
        %dma_start3A_52 = tpu.memref_slice %arg4[%mul3A_29] : memref<323584xi32, #tpu.memory_space<hbm>> -> memref<128xi32, #tpu.memory_space<hbm>>
        tpu.enqueue_dma source(%dma_start3A_52 : memref<128xi32, #tpu.memory_space<hbm>>) target(%arg8 : memref<128xi32, #tpu.memory_space<vmem>>) target_semaphore(%run_scoped3A : memref<!tpu.dma_semaphore, #tpu.memory_space<semaphore_mem>>)
        %dma_wait3A_53 = tpu.memref_slice %arg4[%mul3A_29] : memref<323584xi32, #tpu.memory_space<hbm>> -> memref<128xi32, #tpu.memory_space<hbm>>
        %dma_wait3A_54 = tpu.memref_slice %arg4[%mul3A_29] : memref<323584xi32, #tpu.memory_space<hbm>> -> memref<128xi32, #tpu.memory_space<hbm>>
        tpu.wait_dma2 semaphore(%run_scoped3A : memref<!tpu.dma_semaphore, #tpu.memory_space<semaphore_mem>>) src(%dma_wait3A_54 : memref<128xi32, #tpu.memory_space<hbm>>) dst(%arg8 : memref<128xi32, #tpu.memory_space<vmem>>)
        tpu.yield
      }) : () -> ()
      %dma_start3A = arith.constant 0 : i32
      %dma_start3A_30 = arith.constant 0 : i32
      %dma_start3A_31 = tpu.memref_slice %arg2[%dma_start3A, %dma_start3A_30] : memref<10000x128xf32, #tpu.memory_space<hbm>> -> memref<10000x128xf32, #tpu.memory_space<hbm>>
      tpu.enqueue_indirect_dma source(%dma_start3A_31 : memref<10000x128xf32, #tpu.memory_space<hbm>>) target(%arg10 : memref<128x128xf32, #tpu.memory_space<vmem>>) offsets(%arg6 : memref<128xi32, #tpu.memory_space<vmem>>) semaphore(%arg13 : memref<!tpu.dma_semaphore, #tpu.memory_space<semaphore_mem>>)
      %scan3A_32 = arith.constant 0 : i32
      %scan3A_33 = arith.constant 0 : i32
      %scan3A_34 = arith.constant 56 : i32
      %scan3A_35 = arith.addi %scan3A_33, %scan3A_34 : i32
      %scan3A_36 = arith.constant 1 : i32
      %scan3A_37 = scf.for %scan3A_51 = %scan3A_33 to %scan3A_35 step %scan3A_36 iter_args(%scan3A_52 = %scan3A_32) -> (i32)  : i32 {
        %mul3A_53 = arith.constant 2 : i32
        %mul3A_54 = arith.muli %mul3A_53, %scan3A_51 : i32
        %add3A_55 = arith.constant 1 : i32
        %add3A_56 = arith.addi %mul3A_54, %add3A_55 : i32
        %add3A_57 = arith.addi %mul3A_25, %add3A_56 : i32
        %mul3A_58 = arith.constant 128 : i32
        %mul3A_59 = arith.muli %add3A_57, %mul3A_58 : i32
        "tpu.region"() ({
          %run_scoped3A = tpu.sem_alloc : memref<!tpu.dma_semaphore, #tpu.memory_space<semaphore_mem>>
          %dma_start3A_80 = tpu.memref_slice %arg3[%mul3A_59] : memref<323584xi32, #tpu.memory_space<hbm>> -> memref<128xi32, #tpu.memory_space<hbm>>
          %dma_start3A_81 = tpu.memref_slice %arg3[%mul3A_59] : memref<323584xi32, #tpu.memory_space<hbm>> -> memref<128xi32, #tpu.memory_space<hbm>>
          tpu.enqueue_dma source(%dma_start3A_81 : memref<128xi32, #tpu.memory_space<hbm>>) target(%arg7 : memref<128xi32, #tpu.memory_space<vmem>>) target_semaphore(%run_scoped3A : memref<!tpu.dma_semaphore, #tpu.memory_space<semaphore_mem>>)
          %dma_wait3A_82 = tpu.memref_slice %arg3[%mul3A_59] : memref<323584xi32, #tpu.memory_space<hbm>> -> memref<128xi32, #tpu.memory_space<hbm>>
          %dma_wait3A_83 = tpu.memref_slice %arg3[%mul3A_59] : memref<323584xi32, #tpu.memory_space<hbm>> -> memref<128xi32, #tpu.memory_space<hbm>>
          tpu.wait_dma2 semaphore(%run_scoped3A : memref<!tpu.dma_semaphore, #tpu.memory_space<semaphore_mem>>) src(%dma_wait3A_83 : memref<128xi32, #tpu.memory_space<hbm>>) dst(%arg7 : memref<128xi32, #tpu.memory_space<vmem>>)
          tpu.yield
        }) : () -> ()
        "tpu.region"() ({
          %run_scoped3A = tpu.sem_alloc : memref<!tpu.dma_semaphore, #tpu.memory_space<semaphore_mem>>
          %dma_start3A_80 = tpu.memref_slice %arg4[%mul3A_59] : memref<323584xi32, #tpu.memory_space<hbm>> -> memref<128xi32, #tpu.memory_space<hbm>>
          %dma_start3A_81 = tpu.memref_slice %arg4[%mul3A_59] : memref<323584xi32, #tpu.memory_space<hbm>> -> memref<128xi32, #tpu.memory_space<hbm>>
          tpu.enqueue_dma source(%dma_start3A_81 : memref<128xi32, #tpu.memory_space<hbm>>) target(%arg9 : memref<128xi32, #tpu.memory_space<vmem>>) target_semaphore(%run_scoped3A : memref<!tpu.dma_semaphore, #tpu.memory_space<semaphore_mem>>)
          %dma_wait3A_82 = tpu.memref_slice %arg4[%mul3A_59] : memref<323584xi32, #tpu.memory_space<hbm>> -> memref<128xi32, #tpu.memory_space<hbm>>
          %dma_wait3A_83 = tpu.memref_slice %arg4[%mul3A_59] : memref<323584xi32, #tpu.memory_space<hbm>> -> memref<128xi32, #tpu.memory_space<hbm>>
          tpu.wait_dma2 semaphore(%run_scoped3A : memref<!tpu.dma_semaphore, #tpu.memory_space<semaphore_mem>>) src(%dma_wait3A_83 : memref<128xi32, #tpu.memory_space<hbm>>) dst(%arg9 : memref<128xi32, #tpu.memory_space<vmem>>)
          tpu.yield
        }) : () -> ()
        %dma_start3A_60 = arith.constant 0 : i32
        %dma_start3A_61 = arith.constant 0 : i32
        %dma_start3A_62 = tpu.memref_slice %arg2[%dma_start3A_60, %dma_start3A_61] : memref<10000x128xf32, #tpu.memory_space<hbm>> -> memref<10000x128xf32, #tpu.memory_space<hbm>>
        tpu.enqueue_indirect_dma source(%dma_start3A_62 : memref<10000x128xf32, #tpu.memory_space<hbm>>) target(%arg11 : memref<128x128xf32, #tpu.memory_space<vmem>>) offsets(%arg7 : memref<128xi32, #tpu.memory_space<vmem>>) semaphore(%arg14 : memref<!tpu.dma_semaphore, #tpu.memory_space<semaphore_mem>>)
        %dma_wait3A_63 = arith.constant 0 : i32
        %dma_wait3A_64 = arith.constant 0 : i32
        %dma_wait3A_65 = tpu.memref_slice %arg2[%dma_wait3A_63, %dma_wait3A_64] : memref<10000x128xf32, #tpu.memory_space<hbm>> -> memref<10000x128xf32, #tpu.memory_space<hbm>>
        tpu.wait_indirect_dma semaphore(%arg13 : memref<!tpu.dma_semaphore, #tpu.memory_space<semaphore_mem>>) src(%dma_wait3A_65 : memref<10000x128xf32, #tpu.memory_space<hbm>>) dst(%arg10 : memref<128x128xf32, #tpu.memory_space<vmem>>)
        "tpu.region"() ({
          %run_scoped3A = tpu.sem_alloc : memref<!tpu.dma_semaphore, #tpu.memory_space<semaphore_mem>>
          %dma_start3A_80 = arith.constant 0 : i32
          %dma_start3A_81 = arith.constant 0 : i32
          %dma_start3A_82 = tpu.memref_slice %arg12[%dma_start3A_80, %dma_start3A_81] : memref<10112x128xf32, #tpu.memory_space<vmem_shared>> -> memref<10112x128xf32, #tpu.memory_space<vmem_shared>>
          tpu.enqueue_indirect_dma source(%arg10 : memref<128x128xf32, #tpu.memory_space<vmem>>) target(%dma_start3A_82 : memref<10112x128xf32, #tpu.memory_space<vmem_shared>>) offsets(%arg8 : memref<128xi32, #tpu.memory_space<vmem>>) semaphore(%run_scoped3A : memref<!tpu.dma_semaphore, #tpu.memory_space<semaphore_mem>>) {add = true}
          %dma_wait3A_83 = arith.constant 0 : i32
          %dma_wait3A_84 = arith.constant 0 : i32
          %dma_wait3A_85 = tpu.memref_slice %arg12[%dma_wait3A_83, %dma_wait3A_84] : memref<10112x128xf32, #tpu.memory_space<vmem_shared>> -> memref<10112x128xf32, #tpu.memory_space<vmem_shared>>
          tpu.wait_indirect_dma semaphore(%run_scoped3A : memref<!tpu.dma_semaphore, #tpu.memory_space<semaphore_mem>>) src(%arg10 : memref<128x128xf32, #tpu.memory_space<vmem>>) dst(%dma_wait3A_85 : memref<10112x128xf32, #tpu.memory_space<vmem_shared>>)
          tpu.yield
        }) : () -> ()
        %add3A_66 = arith.constant 1 : i32
        %add3A_67 = arith.addi %mul3A_54, %add3A_66 : i32
        %add3A_68 = arith.constant 1 : i32
        %add3A_69 = arith.addi %add3A_67, %add3A_68 : i32
        %add3A_70 = arith.addi %mul3A_25, %add3A_69 : i32
        %mul3A_71 = arith.constant 128 : i32
        %mul3A_72 = arith.muli %add3A_70, %mul3A_71 : i32
        "tpu.region"() ({
          %run_scoped3A = tpu.sem_alloc : memref<!tpu.dma_semaphore, #tpu.memory_space<semaphore_mem>>
          %dma_start3A_80 = tpu.memref_slice %arg3[%mul3A_72] : memref<323584xi32, #tpu.memory_space<hbm>> -> memref<128xi32, #tpu.memory_space<hbm>>
          %dma_start3A_81 = tpu.memref_slice %arg3[%mul3A_72] : memref<323584xi32, #tpu.memory_space<hbm>> -> memref<128xi32, #tpu.memory_space<hbm>>
          tpu.enqueue_dma source(%dma_start3A_81 : memref<128xi32, #tpu.memory_space<hbm>>) target(%arg6 : memref<128xi32, #tpu.memory_space<vmem>>) target_semaphore(%run_scoped3A : memref<!tpu.dma_semaphore, #tpu.memory_space<semaphore_mem>>)
          %dma_wait3A_82 = tpu.memref_slice %arg3[%mul3A_72] : memref<323584xi32, #tpu.memory_space<hbm>> -> memref<128xi32, #tpu.memory_space<hbm>>
          %dma_wait3A_83 = tpu.memref_slice %arg3[%mul3A_72] : memref<323584xi32, #tpu.memory_space<hbm>> -> memref<128xi32, #tpu.memory_space<hbm>>
          tpu.wait_dma2 semaphore(%run_scoped3A : memref<!tpu.dma_semaphore, #tpu.memory_space<semaphore_mem>>) src(%dma_wait3A_83 : memref<128xi32, #tpu.memory_space<hbm>>) dst(%arg6 : memref<128xi32, #tpu.memory_space<vmem>>)
          tpu.yield
        }) : () -> ()
        "tpu.region"() ({
          %run_scoped3A = tpu.sem_alloc : memref<!tpu.dma_semaphore, #tpu.memory_space<semaphore_mem>>
          %dma_start3A_80 = tpu.memref_slice %arg4[%mul3A_72] : memref<323584xi32, #tpu.memory_space<hbm>> -> memref<128xi32, #tpu.memory_space<hbm>>
          %dma_start3A_81 = tpu.memref_slice %arg4[%mul3A_72] : memref<323584xi32, #tpu.memory_space<hbm>> -> memref<128xi32, #tpu.memory_space<hbm>>
          tpu.enqueue_dma source(%dma_start3A_81 : memref<128xi32, #tpu.memory_space<hbm>>) target(%arg8 : memref<128xi32, #tpu.memory_space<vmem>>) target_semaphore(%run_scoped3A : memref<!tpu.dma_semaphore, #tpu.memory_space<semaphore_mem>>)
          %dma_wait3A_82 = tpu.memref_slice %arg4[%mul3A_72] : memref<323584xi32, #tpu.memory_space<hbm>> -> memref<128xi32, #tpu.memory_space<hbm>>
          %dma_wait3A_83 = tpu.memref_slice %arg4[%mul3A_72] : memref<323584xi32, #tpu.memory_space<hbm>> -> memref<128xi32, #tpu.memory_space<hbm>>
          tpu.wait_dma2 semaphore(%run_scoped3A : memref<!tpu.dma_semaphore, #tpu.memory_space<semaphore_mem>>) src(%dma_wait3A_83 : memref<128xi32, #tpu.memory_space<hbm>>) dst(%arg8 : memref<128xi32, #tpu.memory_space<vmem>>)
          tpu.yield
        }) : () -> ()
        %dma_start3A_73 = arith.constant 0 : i32
        %dma_start3A_74 = arith.constant 0 : i32
        %dma_start3A_75 = tpu.memref_slice %arg2[%dma_start3A_73, %dma_start3A_74] : memref<10000x128xf32, #tpu.memory_space<hbm>> -> memref<10000x128xf32, #tpu.memory_space<hbm>>
        tpu.enqueue_indirect_dma source(%dma_start3A_75 : memref<10000x128xf32, #tpu.memory_space<hbm>>) target(%arg10 : memref<128x128xf32, #tpu.memory_space<vmem>>) offsets(%arg6 : memref<128xi32, #tpu.memory_space<vmem>>) semaphore(%arg13 : memref<!tpu.dma_semaphore, #tpu.memory_space<semaphore_mem>>)
        %dma_wait3A_76 = arith.constant 0 : i32
        %dma_wait3A_77 = arith.constant 0 : i32
        %dma_wait3A_78 = tpu.memref_slice %arg2[%dma_wait3A_76, %dma_wait3A_77] : memref<10000x128xf32, #tpu.memory_space<hbm>> -> memref<10000x128xf32, #tpu.memory_space<hbm>>
        tpu.wait_indirect_dma semaphore(%arg14 : memref<!tpu.dma_semaphore, #tpu.memory_space<semaphore_mem>>) src(%dma_wait3A_78 : memref<10000x128xf32, #tpu.memory_space<hbm>>) dst(%arg11 : memref<128x128xf32, #tpu.memory_space<vmem>>)
        "tpu.region"() ({
          %run_scoped3A = tpu.sem_alloc : memref<!tpu.dma_semaphore, #tpu.memory_space<semaphore_mem>>
          %dma_start3A_80 = arith.constant 0 : i32
          %dma_start3A_81 = arith.constant 0 : i32
          %dma_start3A_82 = tpu.memref_slice %arg12[%dma_start3A_80, %dma_start3A_81] : memref<10112x128xf32, #tpu.memory_space<vmem_shared>> -> memref<10112x128xf32, #tpu.memory_space<vmem_shared>>
          tpu.enqueue_indirect_dma source(%arg11 : memref<128x128xf32, #tpu.memory_space<vmem>>) target(%dma_start3A_82 : memref<10112x128xf32, #tpu.memory_space<vmem_shared>>) offsets(%arg9 : memref<128xi32, #tpu.memory_space<vmem>>) semaphore(%run_scoped3A : memref<!tpu.dma_semaphore, #tpu.memory_space<semaphore_mem>>) {add = true}
          %dma_wait3A_83 = arith.constant 0 : i32
          %dma_wait3A_84 = arith.constant 0 : i32
          %dma_wait3A_85 = tpu.memref_slice %arg12[%dma_wait3A_83, %dma_wait3A_84] : memref<10112x128xf32, #tpu.memory_space<vmem_shared>> -> memref<10112x128xf32, #tpu.memory_space<vmem_shared>>
          tpu.wait_indirect_dma semaphore(%run_scoped3A : memref<!tpu.dma_semaphore, #tpu.memory_space<semaphore_mem>>) src(%arg11 : memref<128x128xf32, #tpu.memory_space<vmem>>) dst(%dma_wait3A_85 : memref<10112x128xf32, #tpu.memory_space<vmem_shared>>)
          tpu.yield
        }) : () -> ()
        %scan3A_79 = arith.constant 0 : i32
        scf.yield %scan3A_79 : i32
      }
      %scan3A_38 = arith.constant 56 : i32
      %add3A_39 = arith.constant 113 : i32
      %add3A_40 = arith.addi %mul3A_25, %add3A_39 : i32
      %mul3A_41 = arith.constant 128 : i32
      %mul3A_42 = arith.muli %add3A_40, %mul3A_41 : i32
      "tpu.region"() ({
        %run_scoped3A = tpu.sem_alloc : memref<!tpu.dma_semaphore, #tpu.memory_space<semaphore_mem>>
        %dma_start3A_51 = tpu.memref_slice %arg3[%mul3A_42] : memref<323584xi32, #tpu.memory_space<hbm>> -> memref<128xi32, #tpu.memory_space<hbm>>
        %dma_start3A_52 = tpu.memref_slice %arg3[%mul3A_42] : memref<323584xi32, #tpu.memory_space<hbm>> -> memref<128xi32, #tpu.memory_space<hbm>>
        tpu.enqueue_dma source(%dma_start3A_52 : memref<128xi32, #tpu.memory_space<hbm>>) target(%arg7 : memref<128xi32, #tpu.memory_space<vmem>>) target_semaphore(%run_scoped3A : memref<!tpu.dma_semaphore, #tpu.memory_space<semaphore_mem>>)
        %dma_wait3A_53 = tpu.memref_slice %arg3[%mul3A_42] : memref<323584xi32, #tpu.memory_space<hbm>> -> memref<128xi32, #tpu.memory_space<hbm>>
        %dma_wait3A_54 = tpu.memref_slice %arg3[%mul3A_42] : memref<323584xi32, #tpu.memory_space<hbm>> -> memref<128xi32, #tpu.memory_space<hbm>>
        tpu.wait_dma2 semaphore(%run_scoped3A : memref<!tpu.dma_semaphore, #tpu.memory_space<semaphore_mem>>) src(%dma_wait3A_54 : memref<128xi32, #tpu.memory_space<hbm>>) dst(%arg7 : memref<128xi32, #tpu.memory_space<vmem>>)
        tpu.yield
      }) : () -> ()
      "tpu.region"() ({
        %run_scoped3A = tpu.sem_alloc : memref<!tpu.dma_semaphore, #tpu.memory_space<semaphore_mem>>
        %dma_start3A_51 = tpu.memref_slice %arg4[%mul3A_42] : memref<323584xi32, #tpu.memory_space<hbm>> -> memref<128xi32, #tpu.memory_space<hbm>>
        %dma_start3A_52 = tpu.memref_slice %arg4[%mul3A_42] : memref<323584xi32, #tpu.memory_space<hbm>> -> memref<128xi32, #tpu.memory_space<hbm>>
        tpu.enqueue_dma source(%dma_start3A_52 : memref<128xi32, #tpu.memory_space<hbm>>) target(%arg9 : memref<128xi32, #tpu.memory_space<vmem>>) target_semaphore(%run_scoped3A : memref<!tpu.dma_semaphore, #tpu.memory_space<semaphore_mem>>)
        %dma_wait3A_53 = tpu.memref_slice %arg4[%mul3A_42] : memref<323584xi32, #tpu.memory_space<hbm>> -> memref<128xi32, #tpu.memory_space<hbm>>
        %dma_wait3A_54 = tpu.memref_slice %arg4[%mul3A_42] : memref<323584xi32, #tpu.memory_space<hbm>> -> memref<128xi32, #tpu.memory_space<hbm>>
        tpu.wait_dma2 semaphore(%run_scoped3A : memref<!tpu.dma_semaphore, #tpu.memory_space<semaphore_mem>>) src(%dma_wait3A_54 : memref<128xi32, #tpu.memory_space<hbm>>) dst(%arg9 : memref<128xi32, #tpu.memory_space<vmem>>)
        tpu.yield
      }) : () -> ()
      %dma_start3A_43 = arith.constant 0 : i32
      %dma_start3A_44 = arith.constant 0 : i32
      %dma_start3A_45 = tpu.memref_slice %arg2[%dma_start3A_43, %dma_start3A_44] : memref<10000x128xf32, #tpu.memory_space<hbm>> -> memref<10000x128xf32, #tpu.memory_space<hbm>>
      tpu.enqueue_indirect_dma source(%dma_start3A_45 : memref<10000x128xf32, #tpu.memory_space<hbm>>) target(%arg11 : memref<128x128xf32, #tpu.memory_space<vmem>>) offsets(%arg7 : memref<128xi32, #tpu.memory_space<vmem>>) semaphore(%arg14 : memref<!tpu.dma_semaphore, #tpu.memory_space<semaphore_mem>>)
      %dma_wait3A = arith.constant 0 : i32
      %dma_wait3A_46 = arith.constant 0 : i32
      %dma_wait3A_47 = tpu.memref_slice %arg2[%dma_wait3A, %dma_wait3A_46] : memref<10000x128xf32, #tpu.memory_space<hbm>> -> memref<10000x128xf32, #tpu.memory_space<hbm>>
      tpu.wait_indirect_dma semaphore(%arg13 : memref<!tpu.dma_semaphore, #tpu.memory_space<semaphore_mem>>) src(%dma_wait3A_47 : memref<10000x128xf32, #tpu.memory_space<hbm>>) dst(%arg10 : memref<128x128xf32, #tpu.memory_space<vmem>>)
      "tpu.region"() ({
        %run_scoped3A = tpu.sem_alloc : memref<!tpu.dma_semaphore, #tpu.memory_space<semaphore_mem>>
        %dma_start3A_51 = arith.constant 0 : i32
        %dma_start3A_52 = arith.constant 0 : i32
        %dma_start3A_53 = tpu.memref_slice %arg12[%dma_start3A_51, %dma_start3A_52] : memref<10112x128xf32, #tpu.memory_space<vmem_shared>> -> memref<10112x128xf32, #tpu.memory_space<vmem_shared>>
        tpu.enqueue_indirect_dma source(%arg10 : memref<128x128xf32, #tpu.memory_space<vmem>>) target(%dma_start3A_53 : memref<10112x128xf32, #tpu.memory_space<vmem_shared>>) offsets(%arg8 : memref<128xi32, #tpu.memory_space<vmem>>) semaphore(%run_scoped3A : memref<!tpu.dma_semaphore, #tpu.memory_space<semaphore_mem>>) {add = true}
        %dma_wait3A_54 = arith.constant 0 : i32
        %dma_wait3A_55 = arith.constant 0 : i32
        %dma_wait3A_56 = tpu.memref_slice %arg12[%dma_wait3A_54, %dma_wait3A_55] : memref<10112x128xf32, #tpu.memory_space<vmem_shared>> -> memref<10112x128xf32, #tpu.memory_space<vmem_shared>>
        tpu.wait_indirect_dma semaphore(%run_scoped3A : memref<!tpu.dma_semaphore, #tpu.memory_space<semaphore_mem>>) src(%arg10 : memref<128x128xf32, #tpu.memory_space<vmem>>) dst(%dma_wait3A_56 : memref<10112x128xf32, #tpu.memory_space<vmem_shared>>)
        tpu.yield
      }) : () -> ()
      %dma_wait3A_48 = arith.constant 0 : i32
      %dma_wait3A_49 = arith.constant 0 : i32
      %dma_wait3A_50 = tpu.memref_slice %arg2[%dma_wait3A_48, %dma_wait3A_49] : memref<10000x128xf32, #tpu.memory_space<hbm>> -> memref<10000x128xf32, #tpu.memory_space<hbm>>
      tpu.wait_indirect_dma semaphore(%arg14 : memref<!tpu.dma_semaphore, #tpu.memory_space<semaphore_mem>>) src(%dma_wait3A_50 : memref<10000x128xf32, #tpu.memory_space<hbm>>) dst(%arg11 : memref<128x128xf32, #tpu.memory_space<vmem>>)
      "tpu.region"() ({
        %run_scoped3A = tpu.sem_alloc : memref<!tpu.dma_semaphore, #tpu.memory_space<semaphore_mem>>
        %dma_start3A_51 = arith.constant 0 : i32
        %dma_start3A_52 = arith.constant 0 : i32
        %dma_start3A_53 = tpu.memref_slice %arg12[%dma_start3A_51, %dma_start3A_52] : memref<10112x128xf32, #tpu.memory_space<vmem_shared>> -> memref<10112x128xf32, #tpu.memory_space<vmem_shared>>
        tpu.enqueue_indirect_dma source(%arg11 : memref<128x128xf32, #tpu.memory_space<vmem>>) target(%dma_start3A_53 : memref<10112x128xf32, #tpu.memory_space<vmem_shared>>) offsets(%arg9 : memref<128xi32, #tpu.memory_space<vmem>>) semaphore(%run_scoped3A : memref<!tpu.dma_semaphore, #tpu.memory_space<semaphore_mem>>) {add = true}
        %dma_wait3A_54 = arith.constant 0 : i32
        %dma_wait3A_55 = arith.constant 0 : i32
        %dma_wait3A_56 = tpu.memref_slice %arg12[%dma_wait3A_54, %dma_wait3A_55] : memref<10112x128xf32, #tpu.memory_space<vmem_shared>> -> memref<10112x128xf32, #tpu.memory_space<vmem_shared>>
        tpu.wait_indirect_dma semaphore(%run_scoped3A : memref<!tpu.dma_semaphore, #tpu.memory_space<semaphore_mem>>) src(%arg11 : memref<128x128xf32, #tpu.memory_space<vmem>>) dst(%dma_wait3A_56 : memref<10112x128xf32, #tpu.memory_space<vmem_shared>>)
        tpu.yield
      }) : () -> ()
    } else {
    }
    %eq3A_18 = arith.constant 1 : i32
    %eq3A_19 = arith.cmpi eq, %arg0, %eq3A_18 : i32
    %convert_element_type3A_20 = arith.extui %eq3A_19 : i1 to i32
    %cond3A_21 = arith.constant 0 : i32
    %cond3A_22 = arith.cmpi ne, %convert_element_type3A_20, %cond3A_21 : i32
    scf.if %cond3A_22 {
      %mul3A_24 = arith.constant 44 : i32
      %mul3A_25 = arith.muli %arg1, %mul3A_24 : i32
      %add3A_26 = arith.constant 1824 : i32
      %add3A_27 = arith.addi %add3A_26, %mul3A_25 : i32
      %add3A_28 = arith.constant 0 : i32
      %add3A_29 = arith.addi %add3A_27, %add3A_28 : i32
      %mul3A_30 = arith.constant 128 : i32
      %mul3A_31 = arith.muli %add3A_29, %mul3A_30 : i32
      "tpu.region"() ({
        %run_scoped3A = tpu.sem_alloc : memref<!tpu.dma_semaphore, #tpu.memory_space<semaphore_mem>>
        %dma_start3A_53 = tpu.memref_slice %arg3[%mul3A_31] : memref<323584xi32, #tpu.memory_space<hbm>> -> memref<128xi32, #tpu.memory_space<hbm>>
        %dma_start3A_54 = tpu.memref_slice %arg3[%mul3A_31] : memref<323584xi32, #tpu.memory_space<hbm>> -> memref<128xi32, #tpu.memory_space<hbm>>
        tpu.enqueue_dma source(%dma_start3A_54 : memref<128xi32, #tpu.memory_space<hbm>>) target(%arg6 : memref<128xi32, #tpu.memory_space<vmem>>) target_semaphore(%run_scoped3A : memref<!tpu.dma_semaphore, #tpu.memory_space<semaphore_mem>>)
        %dma_wait3A_55 = tpu.memref_slice %arg3[%mul3A_31] : memref<323584xi32, #tpu.memory_space<hbm>> -> memref<128xi32, #tpu.memory_space<hbm>>
        %dma_wait3A_56 = tpu.memref_slice %arg3[%mul3A_31] : memref<323584xi32, #tpu.memory_space<hbm>> -> memref<128xi32, #tpu.memory_space<hbm>>
        tpu.wait_dma2 semaphore(%run_scoped3A : memref<!tpu.dma_semaphore, #tpu.memory_space<semaphore_mem>>) src(%dma_wait3A_56 : memref<128xi32, #tpu.memory_space<hbm>>) dst(%arg6 : memref<128xi32, #tpu.memory_space<vmem>>)
        tpu.yield
      }) : () -> ()
      "tpu.region"() ({
        %run_scoped3A = tpu.sem_alloc : memref<!tpu.dma_semaphore, #tpu.memory_space<semaphore_mem>>
        %dma_start3A_53 = tpu.memref_slice %arg4[%mul3A_31] : memref<323584xi32, #tpu.memory_space<hbm>> -> memref<128xi32, #tpu.memory_space<hbm>>
        %dma_start3A_54 = tpu.memref_slice %arg4[%mul3A_31] : memref<323584xi32, #tpu.memory_space<hbm>> -> memref<128xi32, #tpu.memory_space<hbm>>
        tpu.enqueue_dma source(%dma_start3A_54 : memref<128xi32, #tpu.memory_space<hbm>>) target(%arg8 : memref<128xi32, #tpu.memory_space<vmem>>) target_semaphore(%run_scoped3A : memref<!tpu.dma_semaphore, #tpu.memory_space<semaphore_mem>>)
        %dma_wait3A_55 = tpu.memref_slice %arg4[%mul3A_31] : memref<323584xi32, #tpu.memory_space<hbm>> -> memref<128xi32, #tpu.memory_space<hbm>>
        %dma_wait3A_56 = tpu.memref_slice %arg4[%mul3A_31] : memref<323584xi32, #tpu.memory_space<hbm>> -> memref<128xi32, #tpu.memory_space<hbm>>
        tpu.wait_dma2 semaphore(%run_scoped3A : memref<!tpu.dma_semaphore, #tpu.memory_space<semaphore_mem>>) src(%dma_wait3A_56 : memref<128xi32, #tpu.memory_space<hbm>>) dst(%arg8 : memref<128xi32, #tpu.memory_space<vmem>>)
        tpu.yield
      }) : () -> ()
      %dma_start3A = arith.constant 0 : i32
      %dma_start3A_32 = arith.constant 0 : i32
      %dma_start3A_33 = tpu.memref_slice %arg2[%dma_start3A, %dma_start3A_32] : memref<10000x128xf32, #tpu.memory_space<hbm>> -> memref<10000x128xf32, #tpu.memory_space<hbm>>
      tpu.enqueue_indirect_dma source(%dma_start3A_33 : memref<10000x128xf32, #tpu.memory_space<hbm>>) target(%arg10 : memref<128x128xf32, #tpu.memory_space<vmem>>) offsets(%arg6 : memref<128xi32, #tpu.memory_space<vmem>>) semaphore(%arg13 : memref<!tpu.dma_semaphore, #tpu.memory_space<semaphore_mem>>)
      %scan3A_34 = arith.constant 0 : i32
      %scan3A_35 = arith.constant 0 : i32
      %scan3A_36 = arith.constant 21 : i32
      %scan3A_37 = arith.addi %scan3A_35, %scan3A_36 : i32
      %scan3A_38 = arith.constant 1 : i32
      %scan3A_39 = scf.for %scan3A_53 = %scan3A_35 to %scan3A_37 step %scan3A_38 iter_args(%scan3A_54 = %scan3A_34) -> (i32)  : i32 {
        %mul3A_55 = arith.constant 2 : i32
        %mul3A_56 = arith.muli %mul3A_55, %scan3A_53 : i32
        %add3A_57 = arith.constant 1 : i32
        %add3A_58 = arith.addi %mul3A_56, %add3A_57 : i32
        %add3A_59 = arith.addi %add3A_27, %add3A_58 : i32
        %mul3A_60 = arith.constant 128 : i32
        %mul3A_61 = arith.muli %add3A_59, %mul3A_60 : i32
        "tpu.region"() ({
          %run_scoped3A = tpu.sem_alloc : memref<!tpu.dma_semaphore, #tpu.memory_space<semaphore_mem>>
          %dma_start3A_82 = tpu.memref_slice %arg3[%mul3A_61] : memref<323584xi32, #tpu.memory_space<hbm>> -> memref<128xi32, #tpu.memory_space<hbm>>
          %dma_start3A_83 = tpu.memref_slice %arg3[%mul3A_61] : memref<323584xi32, #tpu.memory_space<hbm>> -> memref<128xi32, #tpu.memory_space<hbm>>
          tpu.enqueue_dma source(%dma_start3A_83 : memref<128xi32, #tpu.memory_space<hbm>>) target(%arg7 : memref<128xi32, #tpu.memory_space<vmem>>) target_semaphore(%run_scoped3A : memref<!tpu.dma_semaphore, #tpu.memory_space<semaphore_mem>>)
          %dma_wait3A_84 = tpu.memref_slice %arg3[%mul3A_61] : memref<323584xi32, #tpu.memory_space<hbm>> -> memref<128xi32, #tpu.memory_space<hbm>>
          %dma_wait3A_85 = tpu.memref_slice %arg3[%mul3A_61] : memref<323584xi32, #tpu.memory_space<hbm>> -> memref<128xi32, #tpu.memory_space<hbm>>
          tpu.wait_dma2 semaphore(%run_scoped3A : memref<!tpu.dma_semaphore, #tpu.memory_space<semaphore_mem>>) src(%dma_wait3A_85 : memref<128xi32, #tpu.memory_space<hbm>>) dst(%arg7 : memref<128xi32, #tpu.memory_space<vmem>>)
          tpu.yield
        }) : () -> ()
        "tpu.region"() ({
          %run_scoped3A = tpu.sem_alloc : memref<!tpu.dma_semaphore, #tpu.memory_space<semaphore_mem>>
          %dma_start3A_82 = tpu.memref_slice %arg4[%mul3A_61] : memref<323584xi32, #tpu.memory_space<hbm>> -> memref<128xi32, #tpu.memory_space<hbm>>
          %dma_start3A_83 = tpu.memref_slice %arg4[%mul3A_61] : memref<323584xi32, #tpu.memory_space<hbm>> -> memref<128xi32, #tpu.memory_space<hbm>>
          tpu.enqueue_dma source(%dma_start3A_83 : memref<128xi32, #tpu.memory_space<hbm>>) target(%arg9 : memref<128xi32, #tpu.memory_space<vmem>>) target_semaphore(%run_scoped3A : memref<!tpu.dma_semaphore, #tpu.memory_space<semaphore_mem>>)
          %dma_wait3A_84 = tpu.memref_slice %arg4[%mul3A_61] : memref<323584xi32, #tpu.memory_space<hbm>> -> memref<128xi32, #tpu.memory_space<hbm>>
          %dma_wait3A_85 = tpu.memref_slice %arg4[%mul3A_61] : memref<323584xi32, #tpu.memory_space<hbm>> -> memref<128xi32, #tpu.memory_space<hbm>>
          tpu.wait_dma2 semaphore(%run_scoped3A : memref<!tpu.dma_semaphore, #tpu.memory_space<semaphore_mem>>) src(%dma_wait3A_85 : memref<128xi32, #tpu.memory_space<hbm>>) dst(%arg9 : memref<128xi32, #tpu.memory_space<vmem>>)
          tpu.yield
        }) : () -> ()
        %dma_start3A_62 = arith.constant 0 : i32
        %dma_start3A_63 = arith.constant 0 : i32
        %dma_start3A_64 = tpu.memref_slice %arg2[%dma_start3A_62, %dma_start3A_63] : memref<10000x128xf32, #tpu.memory_space<hbm>> -> memref<10000x128xf32, #tpu.memory_space<hbm>>
        tpu.enqueue_indirect_dma source(%dma_start3A_64 : memref<10000x128xf32, #tpu.memory_space<hbm>>) target(%arg11 : memref<128x128xf32, #tpu.memory_space<vmem>>) offsets(%arg7 : memref<128xi32, #tpu.memory_space<vmem>>) semaphore(%arg14 : memref<!tpu.dma_semaphore, #tpu.memory_space<semaphore_mem>>)
        %dma_wait3A_65 = arith.constant 0 : i32
        %dma_wait3A_66 = arith.constant 0 : i32
        %dma_wait3A_67 = tpu.memref_slice %arg2[%dma_wait3A_65, %dma_wait3A_66] : memref<10000x128xf32, #tpu.memory_space<hbm>> -> memref<10000x128xf32, #tpu.memory_space<hbm>>
        tpu.wait_indirect_dma semaphore(%arg13 : memref<!tpu.dma_semaphore, #tpu.memory_space<semaphore_mem>>) src(%dma_wait3A_67 : memref<10000x128xf32, #tpu.memory_space<hbm>>) dst(%arg10 : memref<128x128xf32, #tpu.memory_space<vmem>>)
        "tpu.region"() ({
          %run_scoped3A = tpu.sem_alloc : memref<!tpu.dma_semaphore, #tpu.memory_space<semaphore_mem>>
          %dma_start3A_82 = arith.constant 0 : i32
          %dma_start3A_83 = arith.constant 0 : i32
          %dma_start3A_84 = tpu.memref_slice %arg12[%dma_start3A_82, %dma_start3A_83] : memref<10112x128xf32, #tpu.memory_space<vmem_shared>> -> memref<10112x128xf32, #tpu.memory_space<vmem_shared>>
          tpu.enqueue_indirect_dma source(%arg10 : memref<128x128xf32, #tpu.memory_space<vmem>>) target(%dma_start3A_84 : memref<10112x128xf32, #tpu.memory_space<vmem_shared>>) offsets(%arg8 : memref<128xi32, #tpu.memory_space<vmem>>) semaphore(%run_scoped3A : memref<!tpu.dma_semaphore, #tpu.memory_space<semaphore_mem>>) {add = true}
          %dma_wait3A_85 = arith.constant 0 : i32
          %dma_wait3A_86 = arith.constant 0 : i32
          %dma_wait3A_87 = tpu.memref_slice %arg12[%dma_wait3A_85, %dma_wait3A_86] : memref<10112x128xf32, #tpu.memory_space<vmem_shared>> -> memref<10112x128xf32, #tpu.memory_space<vmem_shared>>
          tpu.wait_indirect_dma semaphore(%run_scoped3A : memref<!tpu.dma_semaphore, #tpu.memory_space<semaphore_mem>>) src(%arg10 : memref<128x128xf32, #tpu.memory_space<vmem>>) dst(%dma_wait3A_87 : memref<10112x128xf32, #tpu.memory_space<vmem_shared>>)
          tpu.yield
        }) : () -> ()
        %add3A_68 = arith.constant 1 : i32
        %add3A_69 = arith.addi %mul3A_56, %add3A_68 : i32
        %add3A_70 = arith.constant 1 : i32
        %add3A_71 = arith.addi %add3A_69, %add3A_70 : i32
        %add3A_72 = arith.addi %add3A_27, %add3A_71 : i32
        %mul3A_73 = arith.constant 128 : i32
        %mul3A_74 = arith.muli %add3A_72, %mul3A_73 : i32
        "tpu.region"() ({
          %run_scoped3A = tpu.sem_alloc : memref<!tpu.dma_semaphore, #tpu.memory_space<semaphore_mem>>
          %dma_start3A_82 = tpu.memref_slice %arg3[%mul3A_74] : memref<323584xi32, #tpu.memory_space<hbm>> -> memref<128xi32, #tpu.memory_space<hbm>>
          %dma_start3A_83 = tpu.memref_slice %arg3[%mul3A_74] : memref<323584xi32, #tpu.memory_space<hbm>> -> memref<128xi32, #tpu.memory_space<hbm>>
          tpu.enqueue_dma source(%dma_start3A_83 : memref<128xi32, #tpu.memory_space<hbm>>) target(%arg6 : memref<128xi32, #tpu.memory_space<vmem>>) target_semaphore(%run_scoped3A : memref<!tpu.dma_semaphore, #tpu.memory_space<semaphore_mem>>)
          %dma_wait3A_84 = tpu.memref_slice %arg3[%mul3A_74] : memref<323584xi32, #tpu.memory_space<hbm>> -> memref<128xi32, #tpu.memory_space<hbm>>
          %dma_wait3A_85 = tpu.memref_slice %arg3[%mul3A_74] : memref<323584xi32, #tpu.memory_space<hbm>> -> memref<128xi32, #tpu.memory_space<hbm>>
          tpu.wait_dma2 semaphore(%run_scoped3A : memref<!tpu.dma_semaphore, #tpu.memory_space<semaphore_mem>>) src(%dma_wait3A_85 : memref<128xi32, #tpu.memory_space<hbm>>) dst(%arg6 : memref<128xi32, #tpu.memory_space<vmem>>)
          tpu.yield
        }) : () -> ()
        "tpu.region"() ({
          %run_scoped3A = tpu.sem_alloc : memref<!tpu.dma_semaphore, #tpu.memory_space<semaphore_mem>>
          %dma_start3A_82 = tpu.memref_slice %arg4[%mul3A_74] : memref<323584xi32, #tpu.memory_space<hbm>> -> memref<128xi32, #tpu.memory_space<hbm>>
          %dma_start3A_83 = tpu.memref_slice %arg4[%mul3A_74] : memref<323584xi32, #tpu.memory_space<hbm>> -> memref<128xi32, #tpu.memory_space<hbm>>
          tpu.enqueue_dma source(%dma_start3A_83 : memref<128xi32, #tpu.memory_space<hbm>>) target(%arg8 : memref<128xi32, #tpu.memory_space<vmem>>) target_semaphore(%run_scoped3A : memref<!tpu.dma_semaphore, #tpu.memory_space<semaphore_mem>>)
          %dma_wait3A_84 = tpu.memref_slice %arg4[%mul3A_74] : memref<323584xi32, #tpu.memory_space<hbm>> -> memref<128xi32, #tpu.memory_space<hbm>>
          %dma_wait3A_85 = tpu.memref_slice %arg4[%mul3A_74] : memref<323584xi32, #tpu.memory_space<hbm>> -> memref<128xi32, #tpu.memory_space<hbm>>
          tpu.wait_dma2 semaphore(%run_scoped3A : memref<!tpu.dma_semaphore, #tpu.memory_space<semaphore_mem>>) src(%dma_wait3A_85 : memref<128xi32, #tpu.memory_space<hbm>>) dst(%arg8 : memref<128xi32, #tpu.memory_space<vmem>>)
          tpu.yield
        }) : () -> ()
        %dma_start3A_75 = arith.constant 0 : i32
        %dma_start3A_76 = arith.constant 0 : i32
        %dma_start3A_77 = tpu.memref_slice %arg2[%dma_start3A_75, %dma_start3A_76] : memref<10000x128xf32, #tpu.memory_space<hbm>> -> memref<10000x128xf32, #tpu.memory_space<hbm>>
        tpu.enqueue_indirect_dma source(%dma_start3A_77 : memref<10000x128xf32, #tpu.memory_space<hbm>>) target(%arg10 : memref<128x128xf32, #tpu.memory_space<vmem>>) offsets(%arg6 : memref<128xi32, #tpu.memory_space<vmem>>) semaphore(%arg13 : memref<!tpu.dma_semaphore, #tpu.memory_space<semaphore_mem>>)
        %dma_wait3A_78 = arith.constant 0 : i32
        %dma_wait3A_79 = arith.constant 0 : i32
        %dma_wait3A_80 = tpu.memref_slice %arg2[%dma_wait3A_78, %dma_wait3A_79] : memref<10000x128xf32, #tpu.memory_space<hbm>> -> memref<10000x128xf32, #tpu.memory_space<hbm>>
        tpu.wait_indirect_dma semaphore(%arg14 : memref<!tpu.dma_semaphore, #tpu.memory_space<semaphore_mem>>) src(%dma_wait3A_80 : memref<10000x128xf32, #tpu.memory_space<hbm>>) dst(%arg11 : memref<128x128xf32, #tpu.memory_space<vmem>>)
        "tpu.region"() ({
          %run_scoped3A = tpu.sem_alloc : memref<!tpu.dma_semaphore, #tpu.memory_space<semaphore_mem>>
          %dma_start3A_82 = arith.constant 0 : i32
          %dma_start3A_83 = arith.constant 0 : i32
          %dma_start3A_84 = tpu.memref_slice %arg12[%dma_start3A_82, %dma_start3A_83] : memref<10112x128xf32, #tpu.memory_space<vmem_shared>> -> memref<10112x128xf32, #tpu.memory_space<vmem_shared>>
          tpu.enqueue_indirect_dma source(%arg11 : memref<128x128xf32, #tpu.memory_space<vmem>>) target(%dma_start3A_84 : memref<10112x128xf32, #tpu.memory_space<vmem_shared>>) offsets(%arg9 : memref<128xi32, #tpu.memory_space<vmem>>) semaphore(%run_scoped3A : memref<!tpu.dma_semaphore, #tpu.memory_space<semaphore_mem>>) {add = true}
          %dma_wait3A_85 = arith.constant 0 : i32
          %dma_wait3A_86 = arith.constant 0 : i32
          %dma_wait3A_87 = tpu.memref_slice %arg12[%dma_wait3A_85, %dma_wait3A_86] : memref<10112x128xf32, #tpu.memory_space<vmem_shared>> -> memref<10112x128xf32, #tpu.memory_space<vmem_shared>>
          tpu.wait_indirect_dma semaphore(%run_scoped3A : memref<!tpu.dma_semaphore, #tpu.memory_space<semaphore_mem>>) src(%arg11 : memref<128x128xf32, #tpu.memory_space<vmem>>) dst(%dma_wait3A_87 : memref<10112x128xf32, #tpu.memory_space<vmem_shared>>)
          tpu.yield
        }) : () -> ()
        %scan3A_81 = arith.constant 0 : i32
        scf.yield %scan3A_81 : i32
      }
      %scan3A_40 = arith.constant 21 : i32
      %add3A_41 = arith.constant 43 : i32
      %add3A_42 = arith.addi %add3A_27, %add3A_41 : i32
      %mul3A_43 = arith.constant 128 : i32
      %mul3A_44 = arith.muli %add3A_42, %mul3A_43 : i32
      "tpu.region"() ({
        %run_scoped3A = tpu.sem_alloc : memref<!tpu.dma_semaphore, #tpu.memory_space<semaphore_mem>>
        %dma_start3A_53 = tpu.memref_slice %arg3[%mul3A_44] : memref<323584xi32, #tpu.memory_space<hbm>> -> memref<128xi32, #tpu.memory_space<hbm>>
        %dma_start3A_54 = tpu.memref_slice %arg3[%mul3A_44] : memref<323584xi32, #tpu.memory_space<hbm>> -> memref<128xi32, #tpu.memory_space<hbm>>
        tpu.enqueue_dma source(%dma_start3A_54 : memref<128xi32, #tpu.memory_space<hbm>>) target(%arg7 : memref<128xi32, #tpu.memory_space<vmem>>) target_semaphore(%run_scoped3A : memref<!tpu.dma_semaphore, #tpu.memory_space<semaphore_mem>>)
        %dma_wait3A_55 = tpu.memref_slice %arg3[%mul3A_44] : memref<323584xi32, #tpu.memory_space<hbm>> -> memref<128xi32, #tpu.memory_space<hbm>>
        %dma_wait3A_56 = tpu.memref_slice %arg3[%mul3A_44] : memref<323584xi32, #tpu.memory_space<hbm>> -> memref<128xi32, #tpu.memory_space<hbm>>
        tpu.wait_dma2 semaphore(%run_scoped3A : memref<!tpu.dma_semaphore, #tpu.memory_space<semaphore_mem>>) src(%dma_wait3A_56 : memref<128xi32, #tpu.memory_space<hbm>>) dst(%arg7 : memref<128xi32, #tpu.memory_space<vmem>>)
        tpu.yield
      }) : () -> ()
      "tpu.region"() ({
        %run_scoped3A = tpu.sem_alloc : memref<!tpu.dma_semaphore, #tpu.memory_space<semaphore_mem>>
        %dma_start3A_53 = tpu.memref_slice %arg4[%mul3A_44] : memref<323584xi32, #tpu.memory_space<hbm>> -> memref<128xi32, #tpu.memory_space<hbm>>
        %dma_start3A_54 = tpu.memref_slice %arg4[%mul3A_44] : memref<323584xi32, #tpu.memory_space<hbm>> -> memref<128xi32, #tpu.memory_space<hbm>>
        tpu.enqueue_dma source(%dma_start3A_54 : memref<128xi32, #tpu.memory_space<hbm>>) target(%arg9 : memref<128xi32, #tpu.memory_space<vmem>>) target_semaphore(%run_scoped3A : memref<!tpu.dma_semaphore, #tpu.memory_space<semaphore_mem>>)
        %dma_wait3A_55 = tpu.memref_slice %arg4[%mul3A_44] : memref<323584xi32, #tpu.memory_space<hbm>> -> memref<128xi32, #tpu.memory_space<hbm>>
        %dma_wait3A_56 = tpu.memref_slice %arg4[%mul3A_44] : memref<323584xi32, #tpu.memory_space<hbm>> -> memref<128xi32, #tpu.memory_space<hbm>>
        tpu.wait_dma2 semaphore(%run_scoped3A : memref<!tpu.dma_semaphore, #tpu.memory_space<semaphore_mem>>) src(%dma_wait3A_56 : memref<128xi32, #tpu.memory_space<hbm>>) dst(%arg9 : memref<128xi32, #tpu.memory_space<vmem>>)
        tpu.yield
      }) : () -> ()
      %dma_start3A_45 = arith.constant 0 : i32
      %dma_start3A_46 = arith.constant 0 : i32
      %dma_start3A_47 = tpu.memref_slice %arg2[%dma_start3A_45, %dma_start3A_46] : memref<10000x128xf32, #tpu.memory_space<hbm>> -> memref<10000x128xf32, #tpu.memory_space<hbm>>
      tpu.enqueue_indirect_dma source(%dma_start3A_47 : memref<10000x128xf32, #tpu.memory_space<hbm>>) target(%arg11 : memref<128x128xf32, #tpu.memory_space<vmem>>) offsets(%arg7 : memref<128xi32, #tpu.memory_space<vmem>>) semaphore(%arg14 : memref<!tpu.dma_semaphore, #tpu.memory_space<semaphore_mem>>)
      %dma_wait3A = arith.constant 0 : i32
      %dma_wait3A_48 = arith.constant 0 : i32
      %dma_wait3A_49 = tpu.memref_slice %arg2[%dma_wait3A, %dma_wait3A_48] : memref<10000x128xf32, #tpu.memory_space<hbm>> -> memref<10000x128xf32, #tpu.memory_space<hbm>>
      tpu.wait_indirect_dma semaphore(%arg13 : memref<!tpu.dma_semaphore, #tpu.memory_space<semaphore_mem>>) src(%dma_wait3A_49 : memref<10000x128xf32, #tpu.memory_space<hbm>>) dst(%arg10 : memref<128x128xf32, #tpu.memory_space<vmem>>)
      "tpu.region"() ({
        %run_scoped3A = tpu.sem_alloc : memref<!tpu.dma_semaphore, #tpu.memory_space<semaphore_mem>>
        %dma_start3A_53 = arith.constant 0 : i32
        %dma_start3A_54 = arith.constant 0 : i32
        %dma_start3A_55 = tpu.memref_slice %arg12[%dma_start3A_53, %dma_start3A_54] : memref<10112x128xf32, #tpu.memory_space<vmem_shared>> -> memref<10112x128xf32, #tpu.memory_space<vmem_shared>>
        tpu.enqueue_indirect_dma source(%arg10 : memref<128x128xf32, #tpu.memory_space<vmem>>) target(%dma_start3A_55 : memref<10112x128xf32, #tpu.memory_space<vmem_shared>>) offsets(%arg8 : memref<128xi32, #tpu.memory_space<vmem>>) semaphore(%run_scoped3A : memref<!tpu.dma_semaphore, #tpu.memory_space<semaphore_mem>>) {add = true}
        %dma_wait3A_56 = arith.constant 0 : i32
        %dma_wait3A_57 = arith.constant 0 : i32
        %dma_wait3A_58 = tpu.memref_slice %arg12[%dma_wait3A_56, %dma_wait3A_57] : memref<10112x128xf32, #tpu.memory_space<vmem_shared>> -> memref<10112x128xf32, #tpu.memory_space<vmem_shared>>
        tpu.wait_indirect_dma semaphore(%run_scoped3A : memref<!tpu.dma_semaphore, #tpu.memory_space<semaphore_mem>>) src(%arg10 : memref<128x128xf32, #tpu.memory_space<vmem>>) dst(%dma_wait3A_58 : memref<10112x128xf32, #tpu.memory_space<vmem_shared>>)
        tpu.yield
      }) : () -> ()
      %dma_wait3A_50 = arith.constant 0 : i32
      %dma_wait3A_51 = arith.constant 0 : i32
      %dma_wait3A_52 = tpu.memref_slice %arg2[%dma_wait3A_50, %dma_wait3A_51] : memref<10000x128xf32, #tpu.memory_space<hbm>> -> memref<10000x128xf32, #tpu.memory_space<hbm>>
      tpu.wait_indirect_dma semaphore(%arg14 : memref<!tpu.dma_semaphore, #tpu.memory_space<semaphore_mem>>) src(%dma_wait3A_52 : memref<10000x128xf32, #tpu.memory_space<hbm>>) dst(%arg11 : memref<128x128xf32, #tpu.memory_space<vmem>>)
      "tpu.region"() ({
        %run_scoped3A = tpu.sem_alloc : memref<!tpu.dma_semaphore, #tpu.memory_space<semaphore_mem>>
        %dma_start3A_53 = arith.constant 0 : i32
        %dma_start3A_54 = arith.constant 0 : i32
        %dma_start3A_55 = tpu.memref_slice %arg12[%dma_start3A_53, %dma_start3A_54] : memref<10112x128xf32, #tpu.memory_space<vmem_shared>> -> memref<10112x128xf32, #tpu.memory_space<vmem_shared>>
        tpu.enqueue_indirect_dma source(%arg11 : memref<128x128xf32, #tpu.memory_space<vmem>>) target(%dma_start3A_55 : memref<10112x128xf32, #tpu.memory_space<vmem_shared>>) offsets(%arg9 : memref<128xi32, #tpu.memory_space<vmem>>) semaphore(%run_scoped3A : memref<!tpu.dma_semaphore, #tpu.memory_space<semaphore_mem>>) {add = true}
        %dma_wait3A_56 = arith.constant 0 : i32
        %dma_wait3A_57 = arith.constant 0 : i32
        %dma_wait3A_58 = tpu.memref_slice %arg12[%dma_wait3A_56, %dma_wait3A_57] : memref<10112x128xf32, #tpu.memory_space<vmem_shared>> -> memref<10112x128xf32, #tpu.memory_space<vmem_shared>>
        tpu.wait_indirect_dma semaphore(%run_scoped3A : memref<!tpu.dma_semaphore, #tpu.memory_space<semaphore_mem>>) src(%arg11 : memref<128x128xf32, #tpu.memory_space<vmem>>) dst(%dma_wait3A_58 : memref<10112x128xf32, #tpu.memory_space<vmem_shared>>)
        tpu.yield
      }) : () -> ()
    } else {
    }
    %barrier3A_23 = arith.constant 0 : index
    tpu.barrier barrier_id(%barrier3A_23)
    "tpu.region"() ({
      %run_scoped3A = tpu.sem_alloc : memref<!tpu.dma_semaphore, #tpu.memory_space<semaphore_mem>>
      %dma_start3A = arith.constant 0 : i32
      %dma_start3A_24 = tpu.memref_slice %arg5[%arg0, %mul3A_6, %dma_start3A] : memref<2x10112x128xf32, #tpu.memory_space<hbm>> -> memref<1x632x128xf32, #tpu.memory_space<hbm>>
      %dma_start3A_25 = tpu.memref_squeeze %dma_start3A_24 : memref<1x632x128xf32, #tpu.memory_space<hbm>> -> memref<632x128xf32, #tpu.memory_space<hbm>>
      %dma_start3A_26 = arith.constant 0 : i32
      %dma_start3A_27 = tpu.memref_slice %arg12[%mul3A_6, %dma_start3A_26] : memref<10112x128xf32, #tpu.memory_space<vmem_shared>> -> memref<632x128xf32, #tpu.memory_space<vmem_shared>>
      tpu.enqueue_dma source(%dma_start3A_27 : memref<632x128xf32, #tpu.memory_space<vmem_shared>>) target(%dma_start3A_25 : memref<632x128xf32, #tpu.memory_space<hbm>>) target_semaphore(%run_scoped3A : memref<!tpu.dma_semaphore, #tpu.memory_space<semaphore_mem>>)
      %dma_wait3A = arith.constant 0 : i32
      %dma_wait3A_28 = tpu.memref_slice %arg5[%arg0, %mul3A_6, %dma_wait3A] : memref<2x10112x128xf32, #tpu.memory_space<hbm>> -> memref<1x632x128xf32, #tpu.memory_space<hbm>>
      %dma_wait3A_29 = tpu.memref_squeeze %dma_wait3A_28 : memref<1x632x128xf32, #tpu.memory_space<hbm>> -> memref<632x128xf32, #tpu.memory_space<hbm>>
      %dma_wait3A_30 = arith.constant 0 : i32
      %dma_wait3A_31 = tpu.memref_slice %arg12[%mul3A_6, %dma_wait3A_30] : memref<10112x128xf32, #tpu.memory_space<vmem_shared>> -> memref<632x128xf32, #tpu.memory_space<vmem_shared>>
      tpu.wait_dma2 semaphore(%run_scoped3A : memref<!tpu.dma_semaphore, #tpu.memory_space<semaphore_mem>>) src(%dma_wait3A_31 : memref<632x128xf32, #tpu.memory_space<vmem_shared>>) dst(%dma_wait3A_29 : memref<632x128xf32, #tpu.memory_space<hbm>>)
      tpu.yield
    }) : () -> ()
    return
  }
}

module attributes {stable_mosaic.version = 14 : i64} {
  func.func @body(%arg0: i32, %arg1: memref<1000x128xf32, #tpu.memory_space<vmem>>, %arg2: memref<128x64xf32, #tpu.memory_space<vmem>>, %arg3: memref<1x64xf32, #tpu.memory_space<vmem>>, %arg4: memref<64x1xf32, #tpu.memory_space<vmem>>, %arg5: memref<1x1xf32, #tpu.memory_space<vmem>>, %arg6: memref<1000x128xf32, #tpu.memory_space<vmem>>) attributes {dimension_semantics = [#tpu.dimension_semantics<arbitrary>], iteration_bounds = array<i64: 10>, scalar_prefetch = 0 : i64, scratch_operands = 0 : i64, tpu.core_type = #tpu.core_type<tc>, window_params = [{transform_indices = @transform_0, window_bounds = array<i64: 1000, 128>}, {pipeline_mode = #tpu.pipeline_mode<synchronous>, transform_indices = @transform_1, window_bounds = array<i64: 128, 64>}, {pipeline_mode = #tpu.pipeline_mode<synchronous>, transform_indices = @transform_2, window_bounds = array<i64: 1, 64>}, {pipeline_mode = #tpu.pipeline_mode<synchronous>, transform_indices = @transform_3, window_bounds = array<i64: 64, 1>}, {pipeline_mode = #tpu.pipeline_mode<synchronous>, transform_indices = @transform_4, window_bounds = array<i64: 1, 1>}, {transform_indices = @transform_5, window_bounds = array<i64: 1000, 128>}]} {
    %get3A = arith.constant 0 : index
    %get3A_0 = arith.constant 0 : index
    %get3A_1 = vector.load %arg1[%get3A, %get3A_0] : memref<1000x128xf32, #tpu.memory_space<vmem>>, vector<1000x128xf32>
    %get3A_2 = arith.constant 0 : index
    %get3A_3 = arith.constant 0 : index
    %get3A_4 = vector.load %arg2[%get3A_2, %get3A_3] : memref<128x64xf32, #tpu.memory_space<vmem>>, vector<128x64xf32>
    %dot_general3A = arith.constant dense<0.000000e+00> : vector<1000x64xf32>
    %dot_general3A_5 = tpu.matmul %get3A_1, %get3A_4, %dot_general3A {dimension_numbers = #tpu.dot_dimension_numbers<[1], [0], [0], [1], [0, 0, 1, 1], [], []>, transpose_lhs_hint = false} : vector<1000x128xf32>, vector<128x64xf32>, vector<1000x64xf32> -> vector<1000x64xf32>
    %get3A_6 = arith.constant 0 : index
    %get3A_7 = arith.constant 0 : index
    %get3A_8 = vector.load %arg3[%get3A_6, %get3A_7] : memref<1x64xf32, #tpu.memory_space<vmem>>, vector<1x64xf32>
    %add3A = vector.broadcast %get3A_8 : vector<1x64xf32> to vector<1000x64xf32>
    %add3A_9 = arith.addf %dot_general3A_5, %add3A : vector<1000x64xf32>
    %tanh3A = math.tanh %add3A_9 : vector<1000x64xf32>
    %get3A_10 = arith.constant 0 : index
    %get3A_11 = arith.constant 0 : index
    %get3A_12 = vector.load %arg4[%get3A_10, %get3A_11] : memref<64x1xf32, #tpu.memory_space<vmem>>, vector<64x1xf32>
    %dot_general3A_13 = arith.constant dense<0.000000e+00> : vector<1000x1xf32>
    %dot_general3A_14 = tpu.matmul %tanh3A, %get3A_12, %dot_general3A_13 {dimension_numbers = #tpu.dot_dimension_numbers<[1], [0], [0], [1], [0, 0, 1, 1], [], []>, transpose_lhs_hint = false} : vector<1000x64xf32>, vector<64x1xf32>, vector<1000x1xf32> -> vector<1000x1xf32>
    %get3A_15 = arith.constant 0 : index
    %get3A_16 = arith.constant 0 : index
    %get3A_17 = vector.load %arg5[%get3A_15, %get3A_16] : memref<1x1xf32, #tpu.memory_space<vmem>>, vector<1x1xf32>
    %add3A_18 = vector.broadcast %get3A_17 : vector<1x1xf32> to vector<1000x1xf32>
    %add3A_19 = arith.addf %dot_general3A_14, %add3A_18 : vector<1000x1xf32>
    %logistic3A = arith.negf %add3A_19 : vector<1000x1xf32>
    %logistic3A_20 = math.exp %logistic3A : vector<1000x1xf32>
    %logistic3A_21 = arith.constant 1.000000e+00 : f32
    %logistic3A_22 = vector.broadcast %logistic3A_21 : f32 to vector<1000x1xf32>
    %logistic3A_23 = arith.addf %logistic3A_22, %logistic3A_20 : vector<1000x1xf32>
    %logistic3A_24 = arith.divf %logistic3A_22, %logistic3A_23 : vector<1000x1xf32>
    %mul3A = vector.broadcast %logistic3A_24 : vector<1000x1xf32> to vector<1000x128xf32>
    %mul3A_25 = arith.mulf %get3A_1, %mul3A : vector<1000x128xf32>
    %swap3A = arith.constant 0 : index
    %swap3A_26 = arith.constant 0 : index
    %swap3A_27 = vector.load %arg6[%swap3A, %swap3A_26] : memref<1000x128xf32, #tpu.memory_space<vmem>>, vector<1000x128xf32>
    tpu.vector_store %arg6[%swap3A, %swap3A_26], %mul3A_25 {strides = array<i32>} : memref<1000x128xf32, #tpu.memory_space<vmem>>, vector<1000x128xf32>,
    return
  }
  func.func @transform_0(%arg0: i32) -> (i32, i32) {
    %c0_i32 = arith.constant 0 : i32
    %c0_i32_0 = arith.constant 0 : i32
    return %arg0, %c0_i32 : i32, i32
  }
  func.func @transform_1(%arg0: i32) -> (i32, i32) {
    %c0_i32 = arith.constant 0 : i32
    %c0_i32_0 = arith.constant 0 : i32
    %c0_i32_1 = arith.constant 0 : i32
    return %c0_i32, %c0_i32_0 : i32, i32
  }
  func.func @transform_2(%arg0: i32) -> (i32, i32) {
    %c0_i32 = arith.constant 0 : i32
    %c0_i32_0 = arith.constant 0 : i32
    %c0_i32_1 = arith.constant 0 : i32
    return %c0_i32, %c0_i32_0 : i32, i32
  }
  func.func @transform_3(%arg0: i32) -> (i32, i32) {
    %c0_i32 = arith.constant 0 : i32
    %c0_i32_0 = arith.constant 0 : i32
    %c0_i32_1 = arith.constant 0 : i32
    return %c0_i32, %c0_i32_0 : i32, i32
  }
  func.func @transform_4(%arg0: i32) -> (i32, i32) {
    %c0_i32 = arith.constant 0 : i32
    %c0_i32_0 = arith.constant 0 : i32
    %c0_i32_1 = arith.constant 0 : i32
    return %c0_i32, %c0_i32_0 : i32, i32
  }
  func.func @transform_5(%arg0: i32) -> (i32, i32) {
    %c0_i32 = arith.constant 0 : i32
    %c0_i32_0 = arith.constant 0 : i32
    return %arg0, %c0_i32 : i32, i32
  }
}

module attributes {stable_mosaic.version = 14 : i64} {
  func.func @body(%arg0: i32, %arg1: memref<1x1000x128xf32, #tpu.memory_space<vmem>>, %arg2: memref<1x1000x128xf32, #tpu.memory_space<vmem>>, %arg3: memref<1000x128xf32, #tpu.memory_space<vmem>>, %arg4: memref<128x64xf32, #tpu.memory_space<vmem>>, %arg5: memref<1x64xf32, #tpu.memory_space<vmem>>, %arg6: memref<64x128xf32, #tpu.memory_space<vmem>>, %arg7: memref<1x128xf32, #tpu.memory_space<vmem>>, %arg8: memref<1000x128xf32, #tpu.memory_space<vmem>>) attributes {dimension_semantics = [#tpu.dimension_semantics<arbitrary>], iteration_bounds = array<i64: 10>, scalar_prefetch = 0 : i64, scratch_operands = 0 : i64, tpu.core_type = #tpu.core_type<tc>, window_params = [{transform_indices = @transform_0, window_bounds = array<i64: 1, 1000, 128>}, {transform_indices = @transform_1, window_bounds = array<i64: 1, 1000, 128>}, {transform_indices = @transform_2, window_bounds = array<i64: 1000, 128>}, {pipeline_mode = #tpu.pipeline_mode<synchronous>, transform_indices = @transform_3, window_bounds = array<i64: 128, 64>}, {pipeline_mode = #tpu.pipeline_mode<synchronous>, transform_indices = @transform_4, window_bounds = array<i64: 1, 64>}, {pipeline_mode = #tpu.pipeline_mode<synchronous>, transform_indices = @transform_5, window_bounds = array<i64: 64, 128>}, {pipeline_mode = #tpu.pipeline_mode<synchronous>, transform_indices = @transform_6, window_bounds = array<i64: 1, 128>}, {transform_indices = @transform_7, window_bounds = array<i64: 1000, 128>}]} {
    %get3A = arith.constant 0 : index
    %get3A_0 = arith.constant 0 : index
    %get3A_1 = arith.constant 0 : index
    %get3A_2 = vector.load %arg1[%get3A, %get3A_0, %get3A_1] : memref<1x1000x128xf32, #tpu.memory_space<vmem>>, vector<1x1000x128xf32>
    %get3A_3 = vector.shape_cast %get3A_2 : vector<1x1000x128xf32> to vector<1000x128xf32>
    %get3A_4 = arith.constant 0 : index
    %get3A_5 = arith.constant 0 : index
    %get3A_6 = arith.constant 0 : index
    %get3A_7 = vector.load %arg2[%get3A_4, %get3A_5, %get3A_6] : memref<1x1000x128xf32, #tpu.memory_space<vmem>>, vector<1x1000x128xf32>
    %get3A_8 = vector.shape_cast %get3A_7 : vector<1x1000x128xf32> to vector<1000x128xf32>
    %add3A = arith.addf %get3A_3, %get3A_8 : vector<1000x128xf32>
    %get3A_9 = arith.constant 0 : index
    %get3A_10 = arith.constant 0 : index
    %get3A_11 = vector.load %arg4[%get3A_9, %get3A_10] : memref<128x64xf32, #tpu.memory_space<vmem>>, vector<128x64xf32>
    %dot_general3A = arith.constant dense<0.000000e+00> : vector<1000x64xf32>
    %dot_general3A_12 = tpu.matmul %add3A, %get3A_11, %dot_general3A {dimension_numbers = #tpu.dot_dimension_numbers<[1], [0], [0], [1], [0, 0, 1, 1], [], []>, transpose_lhs_hint = false} : vector<1000x128xf32>, vector<128x64xf32>, vector<1000x64xf32> -> vector<1000x64xf32>
    %get3A_13 = arith.constant 0 : index
    %get3A_14 = arith.constant 0 : index
    %get3A_15 = vector.load %arg5[%get3A_13, %get3A_14] : memref<1x64xf32, #tpu.memory_space<vmem>>, vector<1x64xf32>
    %add3A_16 = vector.broadcast %get3A_15 : vector<1x64xf32> to vector<1000x64xf32>
    %add3A_17 = arith.addf %dot_general3A_12, %add3A_16 : vector<1000x64xf32>
    %max3A = arith.constant 0.000000e+00 : f32
    %max3A_18 = vector.broadcast %max3A : f32 to vector<1000x64xf32>
    %max3A_19 = arith.maximumf %add3A_17, %max3A_18 : vector<1000x64xf32>
    %get3A_20 = arith.constant 0 : index
    %get3A_21 = arith.constant 0 : index
    %get3A_22 = vector.load %arg6[%get3A_20, %get3A_21] : memref<64x128xf32, #tpu.memory_space<vmem>>, vector<64x128xf32>
    %dot_general3A_23 = arith.constant dense<0.000000e+00> : vector<1000x128xf32>
    %dot_general3A_24 = tpu.matmul %max3A_19, %get3A_22, %dot_general3A_23 {dimension_numbers = #tpu.dot_dimension_numbers<[1], [0], [0], [1], [0, 0, 1, 1], [], []>, transpose_lhs_hint = false} : vector<1000x64xf32>, vector<64x128xf32>, vector<1000x128xf32> -> vector<1000x128xf32>
    %get3A_25 = arith.constant 0 : index
    %get3A_26 = arith.constant 0 : index
    %get3A_27 = vector.load %arg7[%get3A_25, %get3A_26] : memref<1x128xf32, #tpu.memory_space<vmem>>, vector<1x128xf32>
    %add3A_28 = vector.broadcast %get3A_27 : vector<1x128xf32> to vector<1000x128xf32>
    %add3A_29 = arith.addf %dot_general3A_24, %add3A_28 : vector<1000x128xf32>
    %get3A_30 = arith.constant 0 : index
    %get3A_31 = arith.constant 0 : index
    %get3A_32 = vector.load %arg3[%get3A_30, %get3A_31] : memref<1000x128xf32, #tpu.memory_space<vmem>>, vector<1000x128xf32>
    %add3A_33 = arith.addf %get3A_32, %add3A_29 : vector<1000x128xf32>
    %swap3A = arith.constant 0 : index
    %swap3A_34 = arith.constant 0 : index
    %swap3A_35 = vector.load %arg8[%swap3A, %swap3A_34] : memref<1000x128xf32, #tpu.memory_space<vmem>>, vector<1000x128xf32>
    tpu.vector_store %arg8[%swap3A, %swap3A_34], %add3A_33 {strides = array<i32>} : memref<1000x128xf32, #tpu.memory_space<vmem>>, vector<1000x128xf32>,
    return
  }
  func.func @transform_0(%arg0: i32) -> (i32, i32, i32) {
    %c0_i32 = arith.constant 0 : i32
    %c0_i32_0 = arith.constant 0 : i32
    %c0_i32_1 = arith.constant 0 : i32
    return %c0_i32, %arg0, %c0_i32_0 : i32, i32, i32
  }
  func.func @transform_1(%arg0: i32) -> (i32, i32, i32) {
    %c1_i32 = arith.constant 1 : i32
    %c0_i32 = arith.constant 0 : i32
    %c0_i32_0 = arith.constant 0 : i32
    return %c1_i32, %arg0, %c0_i32 : i32, i32, i32
  }
  func.func @transform_2(%arg0: i32) -> (i32, i32) {
    %c0_i32 = arith.constant 0 : i32
    %c0_i32_0 = arith.constant 0 : i32
    return %arg0, %c0_i32 : i32, i32
  }
  func.func @transform_3(%arg0: i32) -> (i32, i32) {
    %c0_i32 = arith.constant 0 : i32
    %c0_i32_0 = arith.constant 0 : i32
    %c0_i32_1 = arith.constant 0 : i32
    return %c0_i32, %c0_i32_0 : i32, i32
  }
  func.func @transform_4(%arg0: i32) -> (i32, i32) {
    %c0_i32 = arith.constant 0 : i32
    %c0_i32_0 = arith.constant 0 : i32
    %c0_i32_1 = arith.constant 0 : i32
    return %c0_i32, %c0_i32_0 : i32, i32
  }
  func.func @transform_5(%arg0: i32) -> (i32, i32) {
    %c0_i32 = arith.constant 0 : i32
    %c0_i32_0 = arith.constant 0 : i32
    %c0_i32_1 = arith.constant 0 : i32
    return %c0_i32, %c0_i32_0 : i32, i32
  }
  func.func @transform_6(%arg0: i32) -> (i32, i32) {
    %c0_i32 = arith.constant 0 : i32
    %c0_i32_0 = arith.constant 0 : i32
    %c0_i32_1 = arith.constant 0 : i32
    return %c0_i32, %c0_i32_0 : i32, i32
  }
  func.func @transform_7(%arg0: i32) -> (i32, i32) {
    %c0_i32 = arith.constant 0 : i32
    %c0_i32_0 = arith.constant 0 : i32
    return %arg0, %c0_i32 : i32, i32
  }
}

</mosaic_0001>

<sc_bundles>
// kernel: kernel.5.cloned.1.call-start
scs
__scs_entry_jumppad:
0x0: {  	(pc) =	sbr.rel $0x88, $3  }
0x1: {  	(tag) =	ssettag $0x0;
	lr =	simm.s32 $0x1  }
0x2: {  	[smem:$0x3F97] =	sst lr;
	_ =	strace $0xD0000000  }
0x3: {  	_ = 	snop  }
0x4: {  	_ = 	snop  }
0x5: {  	_ = 	snop  }
0x6: {  	_ = 	snop  }
0x7: {  	_ = 	snop  }
__scs_overlays_trampoline_lowered:
0x8: {  	[smem:$0x3FA6] =	sst s0  }
0x9: {  	[smem:$0x3FA7] =	sst s1  }
0xa: {  	[smem:$0x3FA8] =	sst s2  }
0xb: {  	[smem:$0x3FA9] =	sst s3  }
0xc: {  	[smem:$0x3FAA] =	sst s4  }
0xd: {  	[smem:$0x3FAB] =	sst s5  }
0xe: {  	[smem:$0x3FAC] =	sst s6  }
0xf: {  	[smem:$0x3FAD] =	sst s7  }
0x10: {  	[smem:$0x3FAE] =	sst s8  }
0x11: {  	[smem:$0x3FAF] =	sst s9;
	s0 =	simm.s32 @!p0 $0x0  }
0x12: {  	s1 =	sld [smem:$0x3F95];
	s0 =	simm.s32 @p0 $0x1  }
0x13: {  	[smem:$0x3FB0] =	sst s0;
	s0 =	simm.s32 @!p1 $0x0  }
0x14: {  	s2 =	sld [smem:$0x3F94];
	s0 =	simm.s32 @p1 $0x1  }
0x15: {  	[smem:$0x3FB1] =	sst s0;
	s0 =	simm.s32 @!p2 $0x0  }
0x16: {  	s3 =	sld [smem:$0x3FDB];
	s0 =	simm.s32 @p2 $0x1  }
0x17: {  	s4 =	simm.s32 $0x1BF5;
	[smem:$0x3FB3] =	sst s0  }
0x18: {  	s0 =	sld [smem:$0x3F96];
	_ =	swait.ge [sflag:s4], $0x0  }
0x19: {  	s7 =	sld [smem:$0x3F97]  }
0x1a: {  	s8 =	sadd.s32 $0xFFFFE003, lr  }
0x1b: {  	s9 =	sadd.s32 $0xFFFFFEF7, lr;
	s5 =	simm.s32 $0xFFFFFFFF;
	p2 =	slt.u32 s8, $0xFFFFF086  }
0x1c: {  	p1 =	slt.u32 s9, $0xF7A;
	s5 =	simm.s32 @!p2 $0x0  }
0x1d: {  	s5 =	simm.s32 @p1 $0x1;
	p0 =	seq.s32 s7, s2  }
0x1e: {  	s7 =	smul.u32 @!p0 $0xF7A, s2;
	p2 =	seq.s32 @!p0 s5, $0x0  }
0x1f: {  	s9 =	smul.u32 $0xF7A, s1;
	s8 =	simm.s32 @!p0 $0x1BF5;
	p2 =	por !p2, p0  }
0x20: {  	[sflag:s8] =	ssyncset.s32 @!p0 $0xFFFFF086;
	s6 =	sadd.s32 @!p0 s3, s7;
	s7 =	simm.s32 @!p0 $0x108  }
0x21: {  	s3 =	sadd.s32 s3, s9;
	s6 =	sadd.s32 @!p0 $0x88, s6;
	s7 =	simm.s32 @p2 $0x1082  }
0x22: {  	[simem:s7], [sflag:s8] =	dma.local @!p0 [hbm:s6], $0xF7A  }
0x23: {  	s9 =	sor.u32 $0xD0000000, s2;
	s6 =	simm.s32 $0x108;
	_ =	swait.ge @!p0 [sflag:s8], $0x0  }
0x24: {  	s3 =	sadd.s32 $0x88, s3;
	s6 =	simm.s32 @!p1 $0x1082;
	[sflag:s4] =	ssyncset.s32 $0xFFFFF086  }
0x25: {  	[simem:s6], [sflag:s4] =	dma.local [hbm:s3], $0xF7A  }
0x26: {  	[smem:$0x3F97] =	sst s1;
	(tag) =	ssettag s2;
	_ =	strace s9  }
0x27: {  	s1 =	sld [smem:$0x3FA7]  }
0x28: {  	s2 =	sld [smem:$0x3FA8]  }
0x29: {  	s4 =	sld [smem:$0x3FAA]  }
0x2a: {  	p0 =	seq.s32 s5, $0x0;
	s5 =	sld [smem:$0x3FAB]  }
0x2b: {  	s6 =	sld [smem:$0x3FAC]  }
0x2c: {  	s7 =	sld [smem:$0x3FAD]  }
0x2d: {  	s3 =	simm.s32 $0x108;
	s8 =	sld [smem:$0x3FAE]  }
0x2e: {  	s3 =	simm.s32 @!p0 $0x1082;
	s9 =	sld [smem:$0x3FAF]  }
0x2f: {  	lr =	sadd.s32 s0, s3;
	s0 =	sld [smem:$0x3FA6]  }
0x30: {  	s3 =	sld [smem:$0x3FA9]  }
0x31: {  	[smem:$0x3FB2] =	sst s10  }
0x32: {  	s10 =	sld [smem:$0x3FB0];
	_ =	sdelay $0x3  }
0x33: {  	p0 =	seq.s32 s10, $0x1;
	s10 =	sld [smem:$0x3FB2];
	_ =	sdelay $0x3  }
0x34: {  	[smem:$0x3FB2] =	sst s10  }
0x35: {  	s10 =	sld [smem:$0x3FB1];
	_ =	sdelay $0x3  }
0x36: {  	p1 =	seq.s32 s10, $0x1;
	s10 =	sld [smem:$0x3FB2];
	_ =	sdelay $0x3  }
0x37: {  	[smem:$0x3FB2] =	sst s10  }
0x38: {  	s10 =	sld [smem:$0x3FB3]  }
0x39: {  	_ = 	snop;
	(pc) =	sbr.ind lr, $3  }
0x3a: {  	_ = 	snop  }
0x3b: {  	_ = 	snop  }
0x3c: {  	p2 =	seq.s32 s10, $0x1;
	s10 =	sld [smem:$0x3FB2]  }
0x3d: {  	_ =	shalt  }
0x3e: {  	_ =	shalt  }
0x3f: {  	_ =	shalt  }
0x40: {  	_ =	shalt  }
0x41: {  	_ =	shalt  }
0x42: {  	_ =	shalt  }
0x43: {  	_ =	shalt  }
0x44: {  	_ =	shalt  }
0x45: {  	_ =	shalt  }
0x46: {  	_ =	shalt  }
0x47: {  	_ =	shalt  }
0x48: {  	_ =	shalt  }
0x49: {  	_ =	shalt  }
0x4a: {  	_ =	shalt  }
0x4b: {  	_ =	shalt  }
0x4c: {  	_ =	shalt  }
0x4d: {  	_ =	shalt  }
0x4e: {  	_ =	shalt  }
0x4f: {  	_ =	shalt  }
0x50: {  	_ =	shalt  }
0x51: {  	_ =	shalt  }
0x52: {  	_ =	shalt  }
0x53: {  	_ =	shalt  }
0x54: {  	_ =	shalt  }
0x55: {  	_ =	shalt  }
0x56: {  	_ =	shalt  }
0x57: {  	_ =	shalt  }
0x58: {  	_ =	shalt  }
0x59: {  	_ =	shalt  }
0x5a: {  	_ =	shalt  }
0x5b: {  	_ =	shalt  }
0x5c: {  	_ =	shalt  }
0x5d: {  	_ =	shalt  }
0x5e: {  	_ =	shalt  }
0x5f: {  	_ =	shalt  }
0x60: {  	_ =	shalt  }
0x61: {  	_ =	shalt  }
0x62: {  	_ =	shalt  }
0x63: {  	_ =	shalt  }
0x64: {  	_ =	shalt  }
0x65: {  	_ =	shalt  }
0x66: {  	_ =	shalt  }
0x67: {  	_ =	shalt  }
0x68: {  	_ =	shalt  }
0x69: {  	_ =	shalt  }
0x6a: {  	_ =	shalt  }
0x6b: {  	_ =	shalt  }
0x6c: {  	_ =	shalt  }
0x6d: {  	_ =	shalt  }
0x6e: {  	_ =	shalt  }
0x6f: {  	_ =	shalt  }
0x70: {  	_ =	shalt  }
0x71: {  	_ =	shalt  }
0x72: {  	_ =	shalt  }
0x73: {  	_ =	shalt  }
0x74: {  	_ =	shalt  }
0x75: {  	_ =	shalt  }
0x76: {  	_ =	shalt  }
0x77: {  	_ =	shalt  }
0x78: {  	_ =	shalt  }
0x79: {  	_ =	shalt  }
0x7a: {  	_ =	shalt  }
0x7b: {  	_ =	shalt  }
0x7c: {  	_ =	shalt  }
0x7d: {  	_ =	shalt  }
0x7e: {  	_ =	shalt  }
0x7f: {  	_ =	shalt  }
0x80: {  	_ =	shalt  }
0x81: {  	_ =	shalt  }
0x82: {  	_ =	shalt  }
0x83: {  	_ =	shalt  }
0x84: {  	_ =	shalt  }
0x85: {  	_ =	shalt  }
0x86: {  	_ =	shalt  }
0x87: {  	_ =	shalt  }
.Lfunc_end0:
.L_simem_size_0:
called_computation_lowered:
.L_overlay_start_0:
0x88: {  	s2 =	sld [smem:$0x3FD9]  }
0x89: {  	s3 =	sld [smem:$0x3FFE];
	_ =	sdelay $0x1  }
0x8a: {  	s1 =	srdreg.scid  }
0x8b: {  	s0 =	sand.u32 $0x1, s1  }
0x8c: {  	s14 =	sshll.u32 s0, $0xA;
	s2 =	sadd.s32 s3, s2  }
0x8d: {  	s2 =	sadd.s32 s2, s14  }
0x8e: {  	[smem:$0x3FBE] =	sst s2  }
0x8f: {  	_ = 	snop  }
0x90: {  	s2 =	sld [smem:$0x3FD0];
	_ =	sdelay $0x2  }
0x91: {  	s15 =	simm.s32 $0xA;
	s4 =	simm.s32 $0x10  }
0x92: {  	[smem:s4], [sflag:s15] =	dma.local [hbm:s2], $0x1  }
0x93: {  	_ =	swait.eq [sflag:s15], $0x1  }
0x94: {  	[sflag:s15] =	ssyncset.done $0x0  }
0x95: {  	s16 =	sld [smem:$0x10];
	[sflag:s15] =	ssyncadd.s32 $0xFFFFFFFF  }
0x96: {  	s17 =	sld [smem:$0x11];
	(tm) =	ssettm $0x1  }
0x97: {  	s18 =	sld [smem:$0x3FFB];
	_ =	sdelay $0x3  }
0x98: {  	_ =	strace s18  }
0x99: {  	s4 =	sld [smem:$0x3FFC];
	_ =	sdelay $0x3  }
0x9a: {  	_ =	strace s4  }
0x9b: {  	s4 =	sld [smem:$0x3FFD];
	_ =	sdelay $0x3  }
0x9c: {  	_ =	strace s4  }
0x9d: {  	_ =	strace $0x8FFFFFFF  }
0x9e: {  	s19 =	sld [smem:$0x3FDB];
	_ =	sdelay $0x1  }
0x9f: {  	s5 =	simm.s32 $_scs_section_size  }
0xa0: {  	s6 =	simm.s32 $_size__tile_overlayer_lowered;
	s7 =	simm.s32 $_tile_overlayer_lowered  }
0xa1: {  	s22 =	simm.s32 $0x1BFF;
	s21 =	sshll.u32 s7, $0x1;
	s4 =	sadd.s32 s5, s19  }
0xa2: {  	s8 =	simm.s32 $0x0;
	s20 =	sshll.u32 s6, $0x1;
	s6 =	sadd.s32 s21, s4  }
0xa3: {  	[timem:s8], [sflag:s22] =	dma.local [hbm:s6], s20  }
0xa4: {  	_ =	swait.ge [sflag:s22], s20  }
0xa5: {  	s5 =	ssub.s32 $0x0, s20;
	[sflag:s22] =	ssyncset.done $0x0  }
0xa6: {  	[sflag:s22] =	ssyncadd.s32 s5;
	_ =	sdelay $0x1  }
0xa7: {  	s23 =	simm.s32 $0x1B8B  }
0xa8: {  	_ =	swait.ge [sflag:s23], $0x1  }
0xa9: {  	[sflag:s23] =	ssyncset.done $0x0  }
0xaa: {  	s25 =	simm.s32 $0x1B8E;
	s24 =	sld [smem:$0x3FFE];
	[sflag:s23] =	ssyncadd.s32 $0xFFFFFFFF  }
0xab: {  	s26 =	simm.s32 $execute0_lowered;
	[smem:$0x3FD2] =	sst s25  }
0xac: {  	s6 =	sshll.u32 s26, $0x1;
	_ =	strace $0x80000046;
	[dreg:$0x1] =	wrdreg $0xFFFFFFFF  }
0xad: {  	s28 =	simm.s32 $_size_execute0_lowered;
	s4 =	sadd.s32 s4, s6;
	[dreg:$0x0] =	wrdreg $0x0  }
0xae: {  	s6 =	sshll.u32 s28, $0x1;
	[dreg:$0x2] =	wrdreg s4  }
0xaf: {  	[dreg:$0x3] =	wrdreg s6  }
0xb0: {  	[dreg:$0x4] =	wrdreg $0xC0  }
0xb1: {  	_ =	task [dreg:s8], $0x5FFFF  }
0xb2: {  	[dreg:$0x1] =	wrdreg $0xFFFFFFFF  }
0xb3: {  	[dreg:$0x0] =	wrdreg $0x60  }
0xb4: {  	[dreg:$0x2] =	wrdreg s16  }
0xb5: {  	[dreg:$0x3] =	wrdreg s17  }
0xb6: {  	[dreg:$0x4] =	wrdreg s24  }
0xb7: {  	[dreg:$0x5] =	wrdreg $0x82000  }
0xb8: {  	[dreg:$0x6] =	wrdreg $0x9  }
0xb9: {  	_ =	task.clear_ibuf [dreg:s8], $0x7FFFF;
	_ =	strace $0x90000046  }
0xba: {  	s29 =	simm.s32 $0x9;
	_ =	strace $0x80000048  }
0xbb: {  	_ =	swait.ge [sflag:s29], $0x1  }
0xbc: {  	[sflag:s29] =	ssyncadd.s32 $0xFFFFFFFF  }
0xbd: {  	_ =	strace $0x90000048  }
0xbe: {  	_ =	sfence  }
0xbf: {  	s30 =	sld [smem:$0x0];
	_ =	sdelay $0x2  }
0xc0: {  	s31 =	sshll.u32 s1, $0xD;
	s1 =	sshrl.u32 s1, $0x2  }
0xc1: {  	s3 =	sand.u32 $0x4000, s31;
	s1 =	sadd.s32 s1, s30  }
0xc2: {  	s0 =	sor.u32 s3, s0;
	s1 =	sshll.u32 s1, $0x11  }
0xc3: {  	s0 =	sor.u32 s1, s0  }
0xc4: {  	s0 =	sadd.s32 $0x8F2B, s0  }
0xc5: {  	[sflag:s0] =	ssyncadd.remote.s32 $0x1  }
0xc6: {  	_ =	sfence.sel $0xFFFF  }
0xc7: {  	[dreg:$0x0] =	wrdreg $0xFFFFFFFF;
	(pc) =	sbr.abs _section_cstart, $3  }
0xc8: {  	[dreg:$0x1] =	wrdreg $0xFFFFFFFF  }
0xc9: {  	_ =	task.clear_ibuf [dreg:s8], $0x2FFFF;
	_ =	strace $0x9FFFFFFF  }
0xca: {  	(tm) =	ssettm $0x7FFFFFFF  }
0xcb: {  	_ =	shalt  }
tec
execute0_lowered:
.L_overlay_start_1:
0x0: {  	(tag) =	ssettag $0x1  }
0x1: {  	s0 =	rddreg [dreg:$0x0]  }
0x2: {  	s14 =	rddreg [dreg:$0x1]  }
0x3: {  	s1 =	rddreg [dreg:$0x2];
	s3 =	stileid.u32  }
0x4: {  	s2 =	srdreg.scid;
	s8 =	smul.u32 $0x13C00, s3  }
0x5: {  	s4 =	rddreg [dreg:$0x3];
	s9 =	smul.u32 $0x4F000, s3  }
0x6: {  	s5 =	simm.s32 $0x0;
	s28 =	simm.s32 $0x4200;
	s13 =	smul.u32 $0x720, s3  }
0x7: {  	s29 =	simm.s32 $0x1;
	s30 =	simm.s32 $0x2;
	s16 =	smul.u32 $0x2C0, s3  }
0x8: {  	s31 =	simm.s32 $0x0;
	s2 =	sand.u32 $0x1, s2;
	s23 =	smul.u32 $0x3900, s3  }
0x9: {  	[smem:$0x7FF] =	sst s5;
	s6 =	sadd.s32 $0x1200, s1;
	s18 =	smul.u32 $0x1600, s3  }
0xa: {  	s7 =	smul.u32 $0x13C000, s2;
	_ =	strace $0x80000047;
	s22 =	ssub.s32 $0x2, s2  }
0xb: {  	p0 =	seq.s32 s2, $0x1;
	s9 =	sshrl.u32 s9, $0x2;
	s10 =	sshrl.u32 s22, $0x1  }
0xc: {  	s12 =	sadd.s32 s14, s13;
	s17 =	sadd.s32 $0x7200, s16;
	s13 =	sadd.s32 s6, s13  }
0xd: {  	s2 =	sadd.s32 $0x3880, s23;
	s26 =	sadd.s32 $0x3A580, s18;
	s20 =	sadd.s32 s16, s6  }
0xe: {  	s21 =	sadd.s32 s16, s14;
	s23 =	simm.s32 $0x3;
	s7 =	sadd.s32 s8, s7  }
0xf: {  	s15 =	ssub.s32 s22, s10;
	[dreg:$0x5] =	wrdreg s2;
	s24 =	sadd.s32 s14, s17  }
0x10: {  	s25 =	sadd.s32 s6, s17;
	[dreg:$0x8] =	wrdreg s26;
	s22 =	simm.s32 $0x200  }
.Ltmp0:
0x11: {  	s26 =	simm.s32 $0x180;
	[dreg:$0x6] =	wrdreg s24;
	(pc) =	sbr.rel .LBB2_1-.Ltmp0, $4  }
0x12: {  	s7 =	sshrl.u32 s7, $0x3;
	[dreg:$0x7] =	wrdreg s25;
	s19 =	smax.u32 s15, $0x1  }
0x13: {  	s24 =	simm.s32 $0x100;
	s1 =	sadd.s32 s7, s1;
	s7 =	sadd.s32 s9, s4  }
0x14: {  	s25 =	simm.s32 $0x80;
	s8 =	sadd.s32 $0x4000, s7;
	s9 =	sadd.s32 $0x8000, s7  }
0x15: {  	v0 =	vimm.f32 $0.0e+00;
	s10 =	sadd.s32 $0xC000, s7;
	s11 =	sadd.s32 $0x10000, s7;
	s18 =	sadd.s32 $0xB000, s1  }
.LBB2_6:
0x16: {  	s1 =	sadd.s32 $0x710, s15;
	[sflag:s23] =	ssyncadd.s32 $0xFFFFC000  }
0x17: {  	[tilespmem:s25], [sflag:$0x3] =	stream.linear.gather [hbm4b:s1+s5], $0x80, $0x38;
	[tilespmem:$0x1BE00] =	vst v63  }
0x18: {  	_ =	swait.ge [sflag:s23], $0x80  }
0x19: {  	s16 =	sadd.s32 s2, s13;
	[sflag:s23] =	ssyncset.done $0x0  }
0x1a: {  	s2 =	sadd.s32 $0x710, s16;
	[sflag:s23] =	ssyncadd.s32 $0xFFFFFF80  }
0x1b: {  	[tilespmem:s26], [sflag:$0x3] =	stream.linear.gather [hbm4b:s2+s5], $0x80, $0x38;
	[tilespmem:$0x1BE00] =	vst v63  }
0x1c: {  	_ =	swait.ge [sflag:s23], $0x80  }
0x1d: {  	[sflag:s23] =	ssyncset.done $0x0  }
0x1e: {  	[sflag:s23] =	ssyncadd.s32 $0xFFFFFF80  }
0x1f: {  	[tilespmem:s28], [sflag:$0x2] =	stream.indirect.gather [hbm4b:s0+s25], $0x80, s25, s25, $0xb8;
	[tilespmem:$0x1BE00] =	vst v63  }
0x20: {  	_ =	swait.ge [sflag:s29], $0x4000  }
0x21: {  	[sflag:s29] =	ssyncset.done $0x0  }
0x22: {  	[sflag:s29] =	ssyncadd.s32 $0xFFFFC000  }
0x23: {  	[spmem:s4] =	stream.indirect.scatter.add.f32 [tilespmem:s22], [sflag:$0x3], $0x80, s24, s25, $0xb8;
	[tilespmem:$0x1BE00] =	vst v63  }
0x24: {  	_ =	swait.ge [sflag:s23], $0x4000  }
0x25: {  	[sflag:s23] =	ssyncset.done $0x0  }
0x26: {  	s17 =	sadd.s32 $0x720, s15;
	[sflag:s23] =	ssyncadd.s32 $0xFFFFC000  }
0x27: {  	[tilespmem:s5], [sflag:$0x3] =	stream.linear.gather [hbm4b:s17+s5], $0x80, $0x38;
	[tilespmem:$0x1BE00] =	vst v63  }
0x28: {  	_ =	swait.ge [sflag:s23], $0x80  }
0x29: {  	[sflag:s23] =	ssyncset.done $0x0  }
0x2a: {  	s1 =	sadd.s32 $0x720, s16;
	[sflag:s23] =	ssyncadd.s32 $0xFFFFFF80  }
0x2b: {  	[tilespmem:s24], [sflag:$0x3] =	stream.linear.gather [hbm4b:s1+s5], $0x80, $0x38;
	[tilespmem:$0x1BE00] =	vst v63  }
0x2c: {  	_ =	swait.ge [sflag:s23], $0x80  }
0x2d: {  	[sflag:s23] =	ssyncset.done $0x0  }
0x2e: {  	[sflag:s23] =	ssyncadd.s32 $0xFFFFFF80  }
0x2f: {  	[tilespmem:s22], [sflag:$0x1] =	stream.indirect.gather [hbm4b:s0+s25], $0x80, s5, s25, $0xb8;
	[tilespmem:$0x1BE00] =	vst v63  }
0x30: {  	_ =	swait.ge [sflag:s30], $0x4000  }
0x31: {  	[sflag:s30] =	ssyncset.done $0x0  }
0x32: {  	[sflag:s30] =	ssyncadd.s32 $0xFFFFC000  }
0x33: {  	[spmem:s4] =	stream.indirect.scatter.add.f32 [tilespmem:s28], [sflag:$0x3], $0x80, s26, s25, $0xb8;
	[tilespmem:$0x1BE00] =	vst v63  }
0x34: {  	_ =	swait.ge [sflag:s23], $0x4000  }
0x35: {  	[sflag:s23] =	ssyncset.done $0x0  }
0x36: {  	s1 =	rddreg [dreg:$0x5];
	[sflag:s23] =	ssyncadd.s32 $0xFFFFC000  }
.LBB2_10:
0x37: {  	s1 =	sshrl.u32 s1, $0x3;
	s2 =	rddreg [dreg:$0x1]  }
0x38: {  	s2 =	sadd.s32 s2, s1  }
0x39: {  	[tilespmem:s25], [sflag:$0x3] =	stream.linear.gather [hbm4b:s2+s5], $0x80, $0x38;
	[tilespmem:$0x1BE00] =	vst v63  }
0x3a: {  	_ =	swait.ge [sflag:s23], $0x80  }
0x3b: {  	[sflag:s23] =	ssyncset.done $0x0  }
0x3c: {  	s1 =	sadd.s32 s6, s1;
	[sflag:s23] =	ssyncadd.s32 $0xFFFFFF80  }
0x3d: {  	[tilespmem:s26], [sflag:$0x3] =	stream.linear.gather [hbm4b:s1+s5], $0x80, $0x38;
	[tilespmem:$0x1BE00] =	vst v63  }
0x3e: {  	_ =	swait.ge [sflag:s23], $0x80  }
0x3f: {  	[sflag:s23] =	ssyncset.done $0x0  }
0x40: {  	[sflag:s23] =	ssyncadd.s32 $0xFFFFFF80  }
0x41: {  	[tilespmem:s28], [sflag:$0x2] =	stream.indirect.gather [hbm4b:s0+s25], $0x80, s25, s25, $0xb8;
	[tilespmem:$0x1BE00] =	vst v63  }
0x42: {  	_ =	swait.ge [sflag:s29], $0x4000  }
0x43: {  	[sflag:s29] =	ssyncset.done $0x0  }
0x44: {  	[sflag:s29] =	ssyncadd.s32 $0xFFFFC000  }
0x45: {  	[spmem:s4] =	stream.indirect.scatter.add.f32 [tilespmem:s22], [sflag:$0x3], $0x80, s24, s25, $0xb8;
	[tilespmem:$0x1BE00] =	vst v63  }
0x46: {  	_ =	swait.ge [sflag:s23], $0x4000  }
0x47: {  	[sflag:s23] =	ssyncset.done $0x0  }
0x48: {  	[sflag:s23] =	ssyncadd.s32 $0xFFFFC000  }
0x49: {  	_ =	swait.ge [sflag:s30], $0x4000  }
0x4a: {  	[sflag:s30] =	ssyncset.done $0x0  }
0x4b: {  	[sflag:s30] =	ssyncadd.s32 $0xFFFFC000  }
0x4c: {  	[spmem:s4] =	stream.indirect.scatter.add.f32 [tilespmem:s28], [sflag:$0x3], $0x80, s26, s25, $0xb8;
	[tilespmem:$0x1BE00] =	vst v63  }
0x4d: {  	_ =	swait.ge [sflag:s23], $0x4000  }
0x4e: {  	s16 =	sshll.u32 s3, $0x6;
	s31 =	sadd.s32 $0x1, s31;
	[sflag:s23] =	ssyncset.done $0x0  }
0x4f: {  	s17 =	sshrl.u32 s7, $0x3;
	p1 =	sne.s32 s31, s19;
	[sflag:s23] =	ssyncadd.s32 $0xFFFFC000  }
.Ltmp1:
0x50: {  	s1 =	sor.u32 $0x1C03, s16;
	[bflag:$0x0] =	sbarrier.arrive $0xFFFF;
	(pc) =	sbr.rel @!p1 .LBB2_11-.Ltmp1, $4  }
0x51: {  	[hbm:s18], [sflag:s1] =	dma.local [spmem:s17], $0x2780  }
0x52: {  	_ =	swait.ge [sflag:s23], $0x2780  }
0x53: {  	[sflag:s23] =	ssyncset.done $0x0  }
0x54: {  	[sflag:s23] =	ssyncadd.s32 $0xFFFFD880  }
.LBB2_1:
0x55: {  	s1 =	simm.s32 $0x0;
	s2 =	simm.s32 $0x200  }
.LBB2_2:
0x56: {  	p1 =	sne.s32 s2, $0xFE00;
	[tilespmem:s1+$0x270] =	vst v0  }
0x57: {  	[tilespmem:s1+$0x200] =	vst v0  }
0x58: {  	[tilespmem:s1+$0x210] =	vst v0  }
.Ltmp2:
0x59: {  	[tilespmem:s1+$0x220] =	vst v0;
	(pc) =	sbr.rel @p1 .LBB2_2-.Ltmp2, $4  }
0x5a: {  	[tilespmem:s1+$0x230] =	vst v0  }
0x5b: {  	[tilespmem:s1+$0x240] =	vst v0  }
0x5c: {  	[tilespmem:s1+$0x250] =	vst v0  }
0x5d: {  	[tilespmem:s1+$0x260] =	vst v0;
	s1 =	sshra.s32 s2, $0x2;
	s2 =	sadd.s32 $0x200, s2  }
0x5e: {  	[tilespmem:s1+$0x270] =	vst v0  }
0x5f: {  	[tilespmem:s1+$0x200] =	vst v0  }
0x60: {  	[tilespmem:s1+$0x210] =	vst v0  }
0x61: {  	[tilespmem:s1+$0x220] =	vst v0  }
0x62: {  	[tilespmem:s1+$0x230] =	vst v0  }
0x63: {  	[tilespmem:s1+$0x240] =	vst v0  }
0x64: {  	[tilespmem:s1+$0x250] =	vst v0  }
0x65: {  	[tilespmem:s1+$0x260] =	vst v0  }
0x66: {  	[spmem:s7] =	stream.linear.scatter [tilespmem:s22], [sflag:$0x3], $0x4000, $0x38;
	[tilespmem:$0x1BE00] =	vst v63  }
0x67: {  	_ =	swait.ge [sflag:s23], $0x4000  }
0x68: {  	[sflag:s23] =	ssyncset.done $0x0  }
0x69: {  	[sflag:s23] =	ssyncadd.s32 $0xFFFFC000  }
0x6a: {  	[spmem:s8] =	stream.linear.scatter [tilespmem:s22], [sflag:$0x3], $0x4000, $0x38;
	[tilespmem:$0x1BE00] =	vst v63  }
0x6b: {  	_ =	swait.ge [sflag:s23], $0x4000  }
0x6c: {  	[sflag:s23] =	ssyncset.done $0x0  }
0x6d: {  	[sflag:s23] =	ssyncadd.s32 $0xFFFFC000  }
0x6e: {  	[spmem:s9] =	stream.linear.scatter [tilespmem:s22], [sflag:$0x3], $0x4000, $0x38;
	[tilespmem:$0x1BE00] =	vst v63  }
0x6f: {  	_ =	swait.ge [sflag:s23], $0x4000  }
0x70: {  	[sflag:s23] =	ssyncset.done $0x0  }
0x71: {  	[sflag:s23] =	ssyncadd.s32 $0xFFFFC000  }
0x72: {  	[spmem:s10] =	stream.linear.scatter [tilespmem:s22], [sflag:$0x3], $0x4000, $0x38;
	[tilespmem:$0x1BE00] =	vst v63  }
0x73: {  	_ =	swait.ge [sflag:s23], $0x4000  }
0x74: {  	[sflag:s23] =	ssyncset.done $0x0  }
0x75: {  	[sflag:s23] =	ssyncadd.s32 $0xFFFFC000  }
0x76: {  	[spmem:s11] =	stream.linear.scatter [tilespmem:s22], [sflag:$0x3], $0x3C00, $0x38;
	[tilespmem:$0x1BE00] =	vst v63  }
.Ltmp3:
0x77: {  	_ =	swait.ge [sflag:s23], $0x3C00;
	(pc) =	sbr.rel @!p0 .LBB2_4-.Ltmp3, $3  }
0x78: {  	[sflag:s23] =	ssyncset.done $0x0  }
0x79: {  	[sflag:s23] =	ssyncadd.s32 $0xFFFFC400  }
0x7a: {  	[bflag:$0x0] =	sbarrier.arrive $0xFFFF;
	_ =	sdelay $0x1  }
0x7b: {  	s1 =	rddreg [dreg:$0x6]  }
0x7c: {  	[tilespmem:s5], [sflag:$0x3] =	stream.linear.gather [hbm4b:s1+s5], $0x80, $0x38;
	[tilespmem:$0x1BE00] =	vst v63  }
0x7d: {  	_ =	swait.ge [sflag:s23], $0x80  }
0x7e: {  	[sflag:s23] =	ssyncset.done $0x0  }
0x7f: {  	s14 =	rddreg [dreg:$0x7];
	[sflag:s23] =	ssyncadd.s32 $0xFFFFFF80  }
0x80: {  	[tilespmem:s24], [sflag:$0x3] =	stream.linear.gather [hbm4b:s14+s5], $0x80, $0x38;
	[tilespmem:$0x1BE00] =	vst v63  }
0x81: {  	_ =	swait.ge [sflag:s23], $0x80  }
0x82: {  	[sflag:s23] =	ssyncset.done $0x0  }
0x83: {  	s15 =	sadd.s32 $0xFFFFFD60, s21;
	[sflag:s23] =	ssyncadd.s32 $0xFFFFFF80  }
0x84: {  	[tilespmem:s22], [sflag:$0x1] =	stream.indirect.gather [hbm4b:s0+s25], $0x80, s5, s25, $0xb8;
	[tilespmem:$0x1BE00] =	vst v63  }
0x85: {  	s2 =	sadd.s32 $0x74B0, s15  }
0x86: {  	[tilespmem:s25], [sflag:$0x3] =	stream.linear.gather [hbm4b:s2+s5], $0x80, $0x38;
	[tilespmem:$0x1BE00] =	vst v63  }
0x87: {  	_ =	swait.ge [sflag:s23], $0x80  }
0x88: {  	s16 =	sadd.s32 $0xFFFFFD60, s20;
	[sflag:s23] =	ssyncset.done $0x0  }
0x89: {  	s14 =	sadd.s32 $0x74B0, s16;
	[sflag:s23] =	ssyncadd.s32 $0xFFFFFF80  }
0x8a: {  	[tilespmem:s26], [sflag:$0x3] =	stream.linear.gather [hbm4b:s14+s5], $0x80, $0x38;
	[tilespmem:$0x1BE00] =	vst v63  }
0x8b: {  	_ =	swait.ge [sflag:s23], $0x80  }
0x8c: {  	[sflag:s23] =	ssyncset.done $0x0  }
0x8d: {  	[sflag:s23] =	ssyncadd.s32 $0xFFFFFF80  }
0x8e: {  	[tilespmem:s28], [sflag:$0x2] =	stream.indirect.gather [hbm4b:s0+s25], $0x80, s25, s25, $0xb8;
	[tilespmem:$0x1BE00] =	vst v63  }
0x8f: {  	_ =	swait.ge [sflag:s29], $0x4000  }
0x90: {  	[sflag:s29] =	ssyncset.done $0x0  }
0x91: {  	[sflag:s29] =	ssyncadd.s32 $0xFFFFC000  }
0x92: {  	[spmem:s4] =	stream.indirect.scatter.add.f32 [tilespmem:s22], [sflag:$0x3], $0x80, s24, s25, $0xb8;
	[tilespmem:$0x1BE00] =	vst v63  }
0x93: {  	_ =	swait.ge [sflag:s23], $0x4000  }
0x94: {  	[sflag:s23] =	ssyncset.done $0x0  }
0x95: {  	s1 =	sadd.s32 $0x74C0, s15;
	[sflag:s23] =	ssyncadd.s32 $0xFFFFC000  }
0x96: {  	[tilespmem:s5], [sflag:$0x3] =	stream.linear.gather [hbm4b:s1+s5], $0x80, $0x38;
	[tilespmem:$0x1BE00] =	vst v63  }
0x97: {  	_ =	swait.ge [sflag:s23], $0x80  }
0x98: {  	[sflag:s23] =	ssyncset.done $0x0  }
0x99: {  	s17 =	sadd.s32 $0x74C0, s16;
	[sflag:s23] =	ssyncadd.s32 $0xFFFFFF80  }
0x9a: {  	[tilespmem:s24], [sflag:$0x3] =	stream.linear.gather [hbm4b:s17+s5], $0x80, $0x38;
	[tilespmem:$0x1BE00] =	vst v63  }
0x9b: {  	_ =	swait.ge [sflag:s23], $0x80  }
0x9c: {  	[sflag:s23] =	ssyncset.done $0x0  }
0x9d: {  	[sflag:s23] =	ssyncadd.s32 $0xFFFFFF80  }
0x9e: {  	[tilespmem:s22], [sflag:$0x1] =	stream.indirect.gather [hbm4b:s0+s25], $0x80, s5, s25, $0xb8;
	[tilespmem:$0x1BE00] =	vst v63  }
0x9f: {  	_ =	swait.ge [sflag:s30], $0x4000  }
0xa0: {  	[sflag:s30] =	ssyncset.done $0x0  }
0xa1: {  	[sflag:s30] =	ssyncadd.s32 $0xFFFFC000  }
0xa2: {  	[spmem:s4] =	stream.indirect.scatter.add.f32 [tilespmem:s28], [sflag:$0x3], $0x80, s26, s25, $0xb8;
	[tilespmem:$0x1BE00] =	vst v63  }
0xa3: {  	s15 =	sadd.s32 $0xFFFFFD80, s21;
	_ =	swait.ge [sflag:s23], $0x4000  }
0xa4: {  	s16 =	simm.s32 $0xFFFFFDA0;
	s2 =	simm.s32 $0xFFFFFD80;
	[sflag:s23] =	ssyncset.done $0x0  }
.LBB2_8:
0xa5: {  	s14 =	sadd.s32 $0x74B0, s15  }
0xa6: {  	[sflag:s23] =	ssyncadd.s32 $0xFFFFC000;
	s17 =	smov.u32 s16;
	s1 =	sadd.s32 $0x20, s16  }
0xa7: {  	[tilespmem:s25], [sflag:$0x3] =	stream.linear.gather [hbm4b:s14+s5], $0x80, $0x38;
	[tilespmem:$0x1BE00] =	vst v63  }
0xa8: {  	p1 =	sne.s32 s16, $0xFFFFFFE0;
	_ =	swait.ge [sflag:s23], $0x80  }
0xa9: {  	s14 =	sadd.s32 s2, s20;
	s2 =	smov.u32 s17;
	[sflag:s23] =	ssyncset.done $0x0  }
0xaa: {  	s16 =	sadd.s32 $0x74B0, s14;
	[sflag:s23] =	ssyncadd.s32 $0xFFFFFF80  }
0xab: {  	[tilespmem:s26], [sflag:$0x3] =	stream.linear.gather [hbm4b:s16+s5], $0x80, $0x38;
	[tilespmem:$0x1BE00] =	vst v63  }
0xac: {  	_ =	swait.ge [sflag:s23], $0x80  }
0xad: {  	[sflag:s23] =	ssyncset.done $0x0  }
0xae: {  	[sflag:s23] =	ssyncadd.s32 $0xFFFFFF80  }
0xaf: {  	[tilespmem:s28], [sflag:$0x2] =	stream.indirect.gather [hbm4b:s0+s25], $0x80, s25, s25, $0xb8;
	[tilespmem:$0x1BE00] =	vst v63  }
0xb0: {  	_ =	swait.ge [sflag:s29], $0x4000  }
0xb1: {  	[sflag:s29] =	ssyncset.done $0x0  }
0xb2: {  	[sflag:s29] =	ssyncadd.s32 $0xFFFFC000  }
0xb3: {  	[spmem:s4] =	stream.indirect.scatter.add.f32 [tilespmem:s22], [sflag:$0x3], $0x80, s24, s25, $0xb8;
	[tilespmem:$0x1BE00] =	vst v63  }
0xb4: {  	_ =	swait.ge [sflag:s23], $0x4000  }
0xb5: {  	[sflag:s23] =	ssyncset.done $0x0  }
0xb6: {  	s15 =	sadd.s32 $0x74C0, s15;
	[sflag:s23] =	ssyncadd.s32 $0xFFFFC000  }
0xb7: {  	[tilespmem:s5], [sflag:$0x3] =	stream.linear.gather [hbm4b:s15+s5], $0x80, $0x38;
	[tilespmem:$0x1BE00] =	vst v63  }
0xb8: {  	_ =	swait.ge [sflag:s23], $0x80  }
0xb9: {  	[sflag:s23] =	ssyncset.done $0x0  }
0xba: {  	s14 =	sadd.s32 $0x74C0, s14;
	[sflag:s23] =	ssyncadd.s32 $0xFFFFFF80  }
0xbb: {  	[tilespmem:s24], [sflag:$0x3] =	stream.linear.gather [hbm4b:s14+s5], $0x80, $0x38;
	[tilespmem:$0x1BE00] =	vst v63  }
0xbc: {  	_ =	swait.ge [sflag:s23], $0x80  }
0xbd: {  	[sflag:s23] =	ssyncset.done $0x0  }
0xbe: {  	[sflag:s23] =	ssyncadd.s32 $0xFFFFFF80  }
0xbf: {  	[tilespmem:s22], [sflag:$0x1] =	stream.indirect.gather [hbm4b:s0+s25], $0x80, s5, s25, $0xb8;
	[tilespmem:$0x1BE00] =	vst v63  }
0xc0: {  	_ =	swait.ge [sflag:s30], $0x4000  }
.Ltmp4:
0xc1: {  	[sflag:s30] =	ssyncset.done $0x0;
	(pc) =	sbr.rel @p1 .LBB2_8-.Ltmp4, $4  }
0xc2: {  	[sflag:s30] =	ssyncadd.s32 $0xFFFFC000  }
0xc3: {  	[spmem:s4] =	stream.indirect.scatter.add.f32 [tilespmem:s28], [sflag:$0x3], $0x80, s26, s25, $0xb8;
	[tilespmem:$0x1BE00] =	vst v63  }
0xc4: {  	_ =	swait.ge [sflag:s23], $0x4000  }
0xc5: {  	s16 =	smov.u32 s1;
	s15 =	sadd.s32 s2, s21;
	[sflag:s23] =	ssyncset.done $0x0  }
0xc6: {  	s1 =	sadd.s32 $0x74B0, s15;
	[sflag:s23] =	ssyncadd.s32 $0xFFFFC000  }
0xc7: {  	[tilespmem:s25], [sflag:$0x3] =	stream.linear.gather [hbm4b:s1+s5], $0x80, $0x38;
	[tilespmem:$0x1BE00] =	vst v63  }
0xc8: {  	_ =	swait.ge [sflag:s23], $0x80  }
0xc9: {  	s16 =	sadd.s32 s2, s20;
	[sflag:s23] =	ssyncset.done $0x0  }
0xca: {  	s2 =	sadd.s32 $0x74B0, s16;
	[sflag:s23] =	ssyncadd.s32 $0xFFFFFF80  }
0xcb: {  	[tilespmem:s26], [sflag:$0x3] =	stream.linear.gather [hbm4b:s2+s5], $0x80, $0x38;
	[tilespmem:$0x1BE00] =	vst v63  }
0xcc: {  	_ =	swait.ge [sflag:s23], $0x80  }
0xcd: {  	[sflag:s23] =	ssyncset.done $0x0  }
0xce: {  	[sflag:s23] =	ssyncadd.s32 $0xFFFFFF80  }
0xcf: {  	[tilespmem:s28], [sflag:$0x2] =	stream.indirect.gather [hbm4b:s0+s25], $0x80, s25, s25, $0xb8;
	[tilespmem:$0x1BE00] =	vst v63  }
0xd0: {  	_ =	swait.ge [sflag:s29], $0x4000  }
0xd1: {  	[sflag:s29] =	ssyncset.done $0x0  }
0xd2: {  	[sflag:s29] =	ssyncadd.s32 $0xFFFFC000  }
0xd3: {  	[spmem:s4] =	stream.indirect.scatter.add.f32 [tilespmem:s22], [sflag:$0x3], $0x80, s24, s25, $0xb8;
	[tilespmem:$0x1BE00] =	vst v63  }
0xd4: {  	_ =	swait.ge [sflag:s23], $0x4000  }
0xd5: {  	[sflag:s23] =	ssyncset.done $0x0  }
0xd6: {  	s17 =	sadd.s32 $0x74C0, s15;
	[sflag:s23] =	ssyncadd.s32 $0xFFFFC000  }
0xd7: {  	[tilespmem:s5], [sflag:$0x3] =	stream.linear.gather [hbm4b:s17+s5], $0x80, $0x38;
	[tilespmem:$0x1BE00] =	vst v63  }
0xd8: {  	_ =	swait.ge [sflag:s23], $0x80  }
0xd9: {  	[sflag:s23] =	ssyncset.done $0x0  }
0xda: {  	s1 =	sadd.s32 $0x74C0, s16;
	[sflag:s23] =	ssyncadd.s32 $0xFFFFFF80  }
0xdb: {  	[tilespmem:s24], [sflag:$0x3] =	stream.linear.gather [hbm4b:s1+s5], $0x80, $0x38;
	[tilespmem:$0x1BE00] =	vst v63  }
0xdc: {  	_ =	swait.ge [sflag:s23], $0x80  }
0xdd: {  	[sflag:s23] =	ssyncset.done $0x0  }
0xde: {  	[sflag:s23] =	ssyncadd.s32 $0xFFFFFF80  }
0xdf: {  	[tilespmem:s22], [sflag:$0x1] =	stream.indirect.gather [hbm4b:s0+s25], $0x80, s5, s25, $0xb8;
	[tilespmem:$0x1BE00] =	vst v63  }
0xe0: {  	_ =	swait.ge [sflag:s30], $0x4000  }
0xe1: {  	[sflag:s30] =	ssyncset.done $0x0  }
.Ltmp5:
0xe2: {  	[sflag:s30] =	ssyncadd.s32 $0xFFFFC000;
	(pc) =	sbr.rel .LBB2_10-.Ltmp5, $4  }
0xe3: {  	[spmem:s4] =	stream.indirect.scatter.add.f32 [tilespmem:s28], [sflag:$0x3], $0x80, s26, s25, $0xb8;
	[tilespmem:$0x1BE00] =	vst v63  }
0xe4: {  	_ =	swait.ge [sflag:s23], $0x4000  }
0xe5: {  	[sflag:s23] =	ssyncset.done $0x0  }
0xe6: {  	s1 =	rddreg [dreg:$0x8];
	[sflag:s23] =	ssyncadd.s32 $0xFFFFC000  }
.LBB2_4:
0xe7: {  	[tilespmem:s5], [sflag:$0x3] =	stream.linear.gather [hbm4b:s12+s5], $0x80, $0x38;
	[tilespmem:$0x1BE00] =	vst v63  }
0xe8: {  	_ =	swait.ge [sflag:s23], $0x80  }
0xe9: {  	[sflag:s23] =	ssyncset.done $0x0  }
0xea: {  	[sflag:s23] =	ssyncadd.s32 $0xFFFFFF80  }
0xeb: {  	[tilespmem:s24], [sflag:$0x3] =	stream.linear.gather [hbm4b:s13+s5], $0x80, $0x38;
	[tilespmem:$0x1BE00] =	vst v63  }
0xec: {  	_ =	swait.ge [sflag:s23], $0x80  }
0xed: {  	[sflag:s23] =	ssyncset.done $0x0  }
0xee: {  	s1 =	sadd.s32 $0xFFFFF900, s12;
	[sflag:s23] =	ssyncadd.s32 $0xFFFFFF80  }
0xef: {  	[tilespmem:s22], [sflag:$0x1] =	stream.indirect.gather [hbm4b:s0+s25], $0x80, s5, s25, $0xb8;
	[tilespmem:$0x1BE00] =	vst v63  }
0xf0: {  	s2 =	sadd.s32 $0x710, s1  }
0xf1: {  	[tilespmem:s25], [sflag:$0x3] =	stream.linear.gather [hbm4b:s2+s5], $0x80, $0x38;
	[tilespmem:$0x1BE00] =	vst v63  }
0xf2: {  	_ =	swait.ge [sflag:s23], $0x80  }
0xf3: {  	s16 =	sadd.s32 $0xFFFFF900, s13;
	[sflag:s23] =	ssyncset.done $0x0  }
0xf4: {  	s15 =	sadd.s32 $0x710, s16;
	[sflag:s23] =	ssyncadd.s32 $0xFFFFFF80  }
0xf5: {  	[tilespmem:s26], [sflag:$0x3] =	stream.linear.gather [hbm4b:s15+s5], $0x80, $0x38;
	[tilespmem:$0x1BE00] =	vst v63  }
0xf6: {  	_ =	swait.ge [sflag:s23], $0x80  }
0xf7: {  	[sflag:s23] =	ssyncset.done $0x0  }
0xf8: {  	[sflag:s23] =	ssyncadd.s32 $0xFFFFFF80  }
0xf9: {  	[tilespmem:s28], [sflag:$0x2] =	stream.indirect.gather [hbm4b:s0+s25], $0x80, s25, s25, $0xb8;
	[tilespmem:$0x1BE00] =	vst v63  }
0xfa: {  	_ =	swait.ge [sflag:s29], $0x4000  }
0xfb: {  	[sflag:s29] =	ssyncset.done $0x0  }
0xfc: {  	[sflag:s29] =	ssyncadd.s32 $0xFFFFC000  }
0xfd: {  	[spmem:s4] =	stream.indirect.scatter.add.f32 [tilespmem:s22], [sflag:$0x3], $0x80, s24, s25, $0xb8;
	[tilespmem:$0x1BE00] =	vst v63  }
0xfe: {  	_ =	swait.ge [sflag:s23], $0x4000  }
0xff: {  	[sflag:s23] =	ssyncset.done $0x0  }
0x100: {  	s1 =	sadd.s32 $0x720, s1;
	[sflag:s23] =	ssyncadd.s32 $0xFFFFC000  }
0x101: {  	[tilespmem:s5], [sflag:$0x3] =	stream.linear.gather [hbm4b:s1+s5], $0x80, $0x38;
	[tilespmem:$0x1BE00] =	vst v63  }
0x102: {  	_ =	swait.ge [sflag:s23], $0x80  }
0x103: {  	[sflag:s23] =	ssyncset.done $0x0  }
0x104: {  	s17 =	sadd.s32 $0x720, s16;
	[sflag:s23] =	ssyncadd.s32 $0xFFFFFF80  }
0x105: {  	[tilespmem:s24], [sflag:$0x3] =	stream.linear.gather [hbm4b:s17+s5], $0x80, $0x38;
	[tilespmem:$0x1BE00] =	vst v63  }
0x106: {  	_ =	swait.ge [sflag:s23], $0x80  }
0x107: {  	[sflag:s23] =	ssyncset.done $0x0  }
0x108: {  	[sflag:s23] =	ssyncadd.s32 $0xFFFFFF80  }
0x109: {  	[tilespmem:s22], [sflag:$0x1] =	stream.indirect.gather [hbm4b:s0+s25], $0x80, s5, s25, $0xb8;
	[tilespmem:$0x1BE00] =	vst v63  }
0x10a: {  	_ =	swait.ge [sflag:s30], $0x4000  }
0x10b: {  	[sflag:s30] =	ssyncset.done $0x0  }
0x10c: {  	[sflag:s30] =	ssyncadd.s32 $0xFFFFC000  }
0x10d: {  	[spmem:s4] =	stream.indirect.scatter.add.f32 [tilespmem:s28], [sflag:$0x3], $0x80, s26, s25, $0xb8;
	[tilespmem:$0x1BE00] =	vst v63  }
0x10e: {  	s2 =	simm.s32 $0xFFFFF920;
	_ =	swait.ge [sflag:s23], $0x4000  }
0x10f: {  	s15 =	sadd.s32 $0xFFFFF920, s12;
	s1 =	simm.s32 $0xFFFFF940;
	[sflag:s23] =	ssyncset.done $0x0  }
.LBB2_5:
0x110: {  	s14 =	sadd.s32 $0x710, s15  }
0x111: {  	[sflag:s23] =	ssyncadd.s32 $0xFFFFC000;
	s17 =	smov.u32 s1;
	s16 =	sadd.s32 $0x20, s1  }
0x112: {  	[tilespmem:s25], [sflag:$0x3] =	stream.linear.gather [hbm4b:s14+s5], $0x80, $0x38;
	[tilespmem:$0x1BE00] =	vst v63  }
0x113: {  	p1 =	seq.s32 s1, $0xFFFFFFE0;
	_ =	swait.ge [sflag:s23], $0x80  }
0x114: {  	s1 =	sadd.s32 s2, s13;
	s2 =	smov.u32 s17;
	[sflag:s23] =	ssyncset.done $0x0  }
0x115: {  	s14 =	sadd.s32 $0x710, s1;
	[sflag:s23] =	ssyncadd.s32 $0xFFFFFF80  }
0x116: {  	[tilespmem:s26], [sflag:$0x3] =	stream.linear.gather [hbm4b:s14+s5], $0x80, $0x38;
	[tilespmem:$0x1BE00] =	vst v63  }
0x117: {  	_ =	swait.ge [sflag:s23], $0x80  }
0x118: {  	[sflag:s23] =	ssyncset.done $0x0  }
0x119: {  	[sflag:s23] =	ssyncadd.s32 $0xFFFFFF80  }
0x11a: {  	[tilespmem:s28], [sflag:$0x2] =	stream.indirect.gather [hbm4b:s0+s25], $0x80, s25, s25, $0xb8;
	[tilespmem:$0x1BE00] =	vst v63  }
0x11b: {  	_ =	swait.ge [sflag:s29], $0x4000  }
0x11c: {  	[sflag:s29] =	ssyncset.done $0x0  }
0x11d: {  	[sflag:s29] =	ssyncadd.s32 $0xFFFFC000  }
0x11e: {  	[spmem:s4] =	stream.indirect.scatter.add.f32 [tilespmem:s22], [sflag:$0x3], $0x80, s24, s25, $0xb8;
	[tilespmem:$0x1BE00] =	vst v63  }
0x11f: {  	_ =	swait.ge [sflag:s23], $0x4000  }
0x120: {  	[sflag:s23] =	ssyncset.done $0x0  }
0x121: {  	s14 =	sadd.s32 $0x720, s15;
	[sflag:s23] =	ssyncadd.s32 $0xFFFFC000  }
0x122: {  	[tilespmem:s5], [sflag:$0x3] =	stream.linear.gather [hbm4b:s14+s5], $0x80, $0x38;
	[tilespmem:$0x1BE00] =	vst v63  }
0x123: {  	_ =	swait.ge [sflag:s23], $0x80  }
0x124: {  	[sflag:s23] =	ssyncset.done $0x0  }
0x125: {  	s1 =	sadd.s32 $0x720, s1;
	[sflag:s23] =	ssyncadd.s32 $0xFFFFFF80  }
0x126: {  	[tilespmem:s24], [sflag:$0x3] =	stream.linear.gather [hbm4b:s1+s5], $0x80, $0x38;
	[tilespmem:$0x1BE00] =	vst v63  }
0x127: {  	_ =	swait.ge [sflag:s23], $0x80  }
0x128: {  	[sflag:s23] =	ssyncset.done $0x0  }
0x129: {  	[sflag:s23] =	ssyncadd.s32 $0xFFFFFF80  }
0x12a: {  	[tilespmem:s22], [sflag:$0x1] =	stream.indirect.gather [hbm4b:s0+s25], $0x80, s5, s25, $0xb8;
	[tilespmem:$0x1BE00] =	vst v63  }
0x12b: {  	_ =	swait.ge [sflag:s30], $0x4000  }
.Ltmp6:
0x12c: {  	[sflag:s30] =	ssyncset.done $0x0;
	(pc) =	sbr.rel @!p1 .LBB2_5-.Ltmp6, $4  }
0x12d: {  	[sflag:s30] =	ssyncadd.s32 $0xFFFFC000  }
0x12e: {  	[spmem:s4] =	stream.indirect.scatter.add.f32 [tilespmem:s28], [sflag:$0x3], $0x80, s26, s25, $0xb8;
	[tilespmem:$0x1BE00] =	vst v63  }
0x12f: {  	_ =	swait.ge [sflag:s23], $0x4000  }
0x130: {  	s15 =	sadd.s32 s2, s12;
	s1 =	smov.u32 s16;
	[sflag:s23] =	ssyncset.done $0x0  }
.Ltmp7:
0x131: {  	_ = 	snop;
	(pc) =	sbr.rel .LBB2_6-.Ltmp7, $1  }
0x132: {  	_ =	sdelay $0x3  }
.LBB2_11:
0x133: {  	_ =	sfence.sel $0x180000  }
0x134: {  	[bflag:$0x0] =	sbarrier.arrive $0xFFFF  }
0x135: {  	_ =	strace $0x90000047  }
0x136: {  	[bflag:$0x2] =	sbarrier.arrive $0xFFFF  }
0x137: {  	p0 =	sne.s32 s3, $0x0;
	s0 =	rddreg [dreg:$0x4]  }
0x138: {  	s0 =	sadd.s32 @!p0 $0x100000, s0  }
0x139: {  	[sflag:s0] =	ssyncadd.tile.s32 @!p0 $0x1;
	_ =	shalt  }
.Lfunc_end2:
_tile_overlayer_lowered:
.L_overlay_start_2:
0x13a: {  	(tag) =	ssettag $0x2  }
0x13b: {  	s0 =	rddreg [dreg:$0x0];
	s2 =	stileid.u32  }
0x13c: {  	s1 =	rddreg [dreg:$0x1];
	p0 =	sne.s32 s2, $0x0  }
0x13d: {  	s3 =	rddreg [dreg:$0x2];
	[bflag:$0x3] =	sbarrier.arrive $0xFFFF;
	s2 =	simm.s32 @!p0 $0x1C03  }
0x13e: {  	[timem:s3], [sflag:s2] =	dma.local @!p0 [hbm:s0], s1  }
0x13f: {  	s0 =	simm.s32 @!p0 $0x3  }
0x140: {  	_ =	swait.ge @!p0 [sflag:s0], s1  }
0x141: {  	s1 =	ssub.s32 @!p0 $0x0, s1;
	[sflag:s0] =	ssyncset.done @!p0 $0x0  }
0x142: {  	[sflag:s0] =	ssyncadd.s32 @!p0 s1  }
0x143: {  	[bflag:$0x3] =	sbarrier.arrive $0xFFFF  }
0x144: {  	_ =	shalt  }

</sc_bundles>
